<compile_context>
chip_gen: v7x
topology: tpu7x:2x2x1
jax: 0.10.2.dev20260603
libtpu: 0.0.44.dev20260713+nightly
codegen_flags: <defaults>
</compile_context>

<pallas_src>
import functools

import jax
import jax.numpy as jnp
from jax import lax
from jax.experimental import pallas as pl
from jax.experimental.pallas import tpu as pltpu
from jax.experimental.pallas import tpu_sc as plsc

_NC = 2
_NS = 16
_NW = _NC * _NS
_B = 128


def _mesh():
    return plsc.VectorSubcoreMesh(core_axis_name="c", subcore_axis_name="s")


_FD = 128


def _make_deg_kernel(nr, nb):
    slab = nr // _NS

    @functools.partial(
        pl.kernel,
        out_type=jax.ShapeDtypeStruct((_NC, nr, _FD), jnp.float32),
        mesh=_mesh(),
        scratch_types=[
            pltpu.VMEM((nb, _B), jnp.int32),
            pltpu.VMEM((_B, _FD), jnp.float32),
            pltpu.VMEM_SHARED((nr, _FD), jnp.float32),
        ],
    )
    def deg_kernel(dst_hbm, zeros_hbm, ones_hbm, out_hbm, dst_v, ones_v, deg_sh):
        cid = lax.axis_index("c")
        sid = lax.axis_index("s")
        wid = cid * _NS + sid
        pltpu.sync_copy(ones_hbm, ones_v)
        pltpu.sync_copy(dst_hbm.at[wid], dst_v)
        pltpu.sync_copy(zeros_hbm, deg_sh.at[pl.ds(sid * slab, slab)])
        plsc.subcore_barrier()

        def body(j, carry):
            pltpu.sync_copy(ones_v, deg_sh.at[dst_v.at[j]], add=True)
            return carry

        lax.fori_loop(0, nb, body, 0)
        plsc.subcore_barrier()
        pltpu.sync_copy(deg_sh.at[pl.ds(sid * slab, slab)],
                        out_hbm.at[cid, pl.ds(sid * slab, slab)])

    return deg_kernel


def _make_scat_kernel(nr, nb, f):
    slab = nr // _NS

    @functools.partial(
        pl.kernel,
        out_type=jax.ShapeDtypeStruct((_NC, nr, f), jnp.float32),
        mesh=_mesh(),
        scratch_types=[
            pltpu.VMEM((nb, _B), jnp.int32),
            pltpu.VMEM((nb, _B), jnp.int32),
            pltpu.VMEM((_B, f), jnp.float32),
            pltpu.VMEM_SHARED((nr, f), jnp.float32),
            pltpu.SemaphoreType.DMA,
        ],
    )
    def scat_kernel(s_hbm, src_hbm, dst_hbm, zeros_hbm, out_hbm,
                    src_v, dst_v, rows_v, acc_sh, gsem):
        cid = lax.axis_index("c")
        sid = lax.axis_index("s")
        wid = cid * _NS + sid
        pltpu.sync_copy(src_hbm.at[wid], src_v)
        pltpu.sync_copy(dst_hbm.at[wid], dst_v)
        pltpu.sync_copy(zeros_hbm, acc_sh.at[pl.ds(sid * slab, slab)])
        plsc.subcore_barrier()

        def body(j, carry):
            pltpu.async_copy(s_hbm.at[src_v.at[j]], rows_v, gsem).wait()
            pltpu.sync_copy(rows_v, acc_sh.at[dst_v.at[j]], add=True)
            return carry

        lax.fori_loop(0, nb, body, 0)
        plsc.subcore_barrier()
        pltpu.sync_copy(acc_sh.at[pl.ds(sid * slab, slab)],
                        out_hbm.at[cid, pl.ds(sid * slab, slab)])

    return scat_kernel


def _stage_a(x_ref, w_ref, b_ref, w1_ref, dinv_ref, s1_ref):
    h = jnp.dot(x_ref[...], w_ref[...], preferred_element_type=jnp.float32)
    h = jnp.maximum(h + b_ref[...], 0.0)
    t = jnp.dot(h, w1_ref[...], preferred_element_type=jnp.float32)
    s1_ref[...] = t * dinv_ref[...]


def _stage_mid(acc_ref, s_ref, dinv_ref, b_ref, g_ref, be_ref, w_ref, out_ref, *, n):
    a = acc_ref[0, :n, :] + acc_ref[1, :n, :]
    g = (a + s_ref[...]) * dinv_ref[...] + b_ref[...]
    m = jnp.mean(g, axis=0, keepdims=True)
    cv = g - m
    v = jnp.mean(cv * cv, axis=0, keepdims=True)
    r = jnp.maximum(cv * lax.rsqrt(v + 1e-5) * g_ref[...] + be_ref[...], 0.0)
    t = jnp.dot(r, w_ref[...], preferred_element_type=jnp.float32)
    out_ref[...] = t * dinv_ref[...]


def _stage_final(acc_ref, s_ref, dinv_ref, b3_ref, g3_ref, be3_ref, w_ref,
                 fb_ref, out_ref, *, n, c):
    a = acc_ref[0, :n, :] + acc_ref[1, :n, :]
    g = (a + s_ref[...]) * dinv_ref[...]
    g = g[:, :c] + b3_ref[...]
    m = jnp.mean(g, axis=0, keepdims=True)
    cv = g - m
    v = jnp.mean(cv * cv, axis=0, keepdims=True)
    r = jnp.maximum(cv * lax.rsqrt(v + 1e-5) * g3_ref[...] + be3_ref[...], 0.0)
    z = jnp.dot(r, w_ref[...], preferred_element_type=jnp.float32) + fb_ref[...]
    zm = jnp.max(z, axis=1, keepdims=True)
    e = jnp.exp(z - zm)
    out_ref[...] = z - (jnp.log(jnp.sum(e, axis=1, keepdims=True)) + zm)


def kernel(x, edge_index, fc1_W, fc1_b, W1, b1, g1, be1, W2, b2, g2, be2,
           W3, b3, g3, be3, fc2_W, fc2_b):
    n, d = x.shape
    c = fc2_W.shape[0]
    e = edge_index.shape[1]
    f3 = d

    epw = -(-e // _NW)
    nb = -(-epw // _B)
    etot = _NW * nb * _B
    nr = -(-(n + 1) // _B) * _B
    slab = nr // _NS

    src = edge_index[0]
    dst = edge_index[1]
    pad = etot - e
    srcp = jnp.concatenate([src, jnp.zeros((pad,), src.dtype)]).reshape(_NW, nb, _B)
    dstp = jnp.concatenate([dst, jnp.full((pad,), n, dst.dtype)]).reshape(_NW, nb, _B)

    zeros_fd = jnp.zeros((slab, _FD), jnp.float32)
    ones_b = jnp.ones((_B, _FD), jnp.float32)
    zeros_d = jnp.zeros((slab, d), jnp.float32)

    degp = _make_deg_kernel(nr, nb)(dstp, zeros_fd, ones_b)
    deg = degp[0, :n, 0] + degp[1, :n, 0] + 1.0
    dinv = lax.rsqrt(deg).reshape(n, 1)

    f32 = jnp.float32
    s1 = pl.pallas_call(
        _stage_a, out_shape=jax.ShapeDtypeStruct((n, d), f32),
    )(x, fc1_W, fc1_b, W1, dinv)

    scat_d = _make_scat_kernel(nr, nb, d)
    acc1 = scat_d(s1, srcp, dstp, zeros_d)
    s2 = pl.pallas_call(
        functools.partial(_stage_mid, n=n),
        out_shape=jax.ShapeDtypeStruct((n, d), f32),
    )(acc1, s1, dinv, b1, g1, be1, W2)

    acc2 = scat_d(s2, srcp, dstp, zeros_d)
    W3p = jnp.concatenate([W3, jnp.zeros((d, f3 - c), f32)], axis=1)
    s3 = pl.pallas_call(
        functools.partial(_stage_mid, n=n),
        out_shape=jax.ShapeDtypeStruct((n, f3), f32),
    )(acc2, s2, dinv, b2, g2, be2, W3p)

    acc3 = scat_d(s3, srcp, dstp, zeros_d)
    out = pl.pallas_call(
        functools.partial(_stage_final, n=n, c=c),
        out_shape=jax.ShapeDtypeStruct((n, c), f32),
    )(acc3, s3, dinv, b3, g3, be3, fc2_W, fc2_b)
    return out

# --- scband reference (transcript-rebuilt; emitter-appended) ---
"""Pipeline reference for scband-gcn-1451698946201 (READ-ONLY COPY).

The authoritative reference and input builder live on the scoring server;
editing this copy changes nothing except your own understanding.
"""

import jax, jax.numpy as jnp
import numpy as np

N = 10000
E = 320000
D = 128
C = 40


def gcn_conv(x, edge_index, W, b):
    n = x.shape[0]
    h = x @ W
    loop = jnp.arange(n, dtype=edge_index.dtype)
    src = jnp.concatenate([edge_index[0], loop])
    dst = jnp.concatenate([edge_index[1], loop])
    deg = jnp.zeros((n,), h.dtype).at[dst].add(1.0)
    dinv = jnp.where(deg > 0, 1.0 / jnp.sqrt(deg), 0.0)
    norm = dinv[src] * dinv[dst]
    out = jnp.zeros((n, W.shape[1]), h.dtype).at[dst].add(h[src] * norm[:, None])
    return out + b


def batch_norm(x, g, beta, eps=1e-5):
    m = x.mean(axis=0)
    v = x.var(axis=0)
    return (x - m) / jnp.sqrt(v + eps) * g + beta


def setup_inputs(seed: int = 0):
    key = jax.random.key(seed)
    ks = jax.random.split(key, 12)
    s_d = 1.0 / np.sqrt(D)
    s_c = 1.0 / np.sqrt(C)
    inp = {
        "x": jax.random.normal(ks[0], (N, D), jnp.float32),
        "edge_index": jax.random.randint(ks[1], (2, E), 0, N, jnp.int32),
        "fc1_W": jax.random.normal(ks[2], (D, D), jnp.float32) * s_d,
        "fc1_b": jnp.zeros((D,), jnp.float32),
        "W1": jax.random.normal(ks[3], (D, D), jnp.float32) * s_d,
        "b1": jnp.zeros((D,), jnp.float32),
        "g1": jnp.ones((D,), jnp.float32),
        "be1": jnp.zeros((D,), jnp.float32),
        "W2": jax.random.normal(ks[4], (D, D), jnp.float32) * s_d,
        "b2": jnp.zeros((D,), jnp.float32),
        "g2": jnp.ones((D,), jnp.float32),
        "be2": jnp.zeros((D,), jnp.float32),
        "W3": jax.random.normal(ks[5], (D, C), jnp.float32) * s_d,
        "b3": jnp.zeros((C,), jnp.float32),
        "g3": jnp.ones((C,), jnp.float32),
        "be3": jnp.zeros((C,), jnp.float32),
        "fc2_W": jax.random.normal(ks[6], (C, C), jnp.float32) * s_c,
        "fc2_b": jnp.zeros((C,), jnp.float32),
    }
    return inp


def reference(x, edge_index, fc1_W, fc1_b, W1, b1, g1, be1, W2, b2, g2, be2, W3, b3, g3, be3, fc2_W, fc2_b):
    h = jax.nn.relu(x @ fc1_W + fc1_b)
    h = jax.nn.relu(batch_norm(gcn_conv(h, edge_index, W1, b1), g1, be1))
    h = jax.nn.relu(batch_norm(gcn_conv(h, edge_index, W2, b2), g2, be2))
    h = jax.nn.relu(batch_norm(gcn_conv(h, edge_index, W3, b3), g3, be3))
    h = h @ fc2_W + fc2_b
    return h - jax.scipy.special.logsumexp(h, axis=1, keepdims=True)

if __name__ == "__main__":
    import jax
    _d = setup_inputs()
    print(jax.jit(kernel)(*tuple(_d.values())))

</pallas_src>

<mosaic_0001>
#map = affine_map<(d0, d1) -> (0, 0, 0)>
#map1 = affine_map<(d0, d1) -> (0, 0)>
module attributes {stable_mosaic.version = 14 : i64} {
  func.func @deg_kernel(%arg0: i32, %arg1: i32, %arg2: memref<32x79x128xi32, #tpu.memory_space<hbm>>, %arg3: memref<632x128xf32, #tpu.memory_space<hbm>>, %arg4: memref<128x128xf32, #tpu.memory_space<hbm>>, %arg5: memref<2x10112x128xf32, #tpu.memory_space<hbm>>, %arg6: memref<79x128xi32, #tpu.memory_space<vmem>>, %arg7: memref<128x128xf32, #tpu.memory_space<vmem>>, %arg8: memref<10112x128xf32, #tpu.memory_space<vmem_shared>>) attributes {dimension_semantics = [#tpu.dimension_semantics<core_parallel>, #tpu.dimension_semantics<subcore_parallel>], iteration_bounds = array<i64: 2, 16>, scalar_prefetch = 0 : i64, scratch_operands = 3 : i64, tpu.core_type = #tpu.core_type<sc_vector_subcore>, window_params = [{transform_indices = #map}, {transform_indices = #map1}, {transform_indices = #map1}, {transform_indices = #map}]} {
    %mul3A = arith.constant 16 : i32
    %mul3A_0 = arith.muli %arg0, %mul3A : i32
    %add3A = arith.addi %mul3A_0, %arg1 : i32
    "tpu.region"() ({
      %run_scoped3A = tpu.sem_alloc : memref<!tpu.dma_semaphore, #tpu.memory_space<semaphore_mem>>
      tpu.enqueue_dma source(%arg4 : memref<128x128xf32, #tpu.memory_space<hbm>>) target(%arg7 : memref<128x128xf32, #tpu.memory_space<vmem>>) target_semaphore(%run_scoped3A : memref<!tpu.dma_semaphore, #tpu.memory_space<semaphore_mem>>)
      tpu.wait_dma2 semaphore(%run_scoped3A : memref<!tpu.dma_semaphore, #tpu.memory_space<semaphore_mem>>) src(%arg4 : memref<128x128xf32, #tpu.memory_space<hbm>>) dst(%arg7 : memref<128x128xf32, #tpu.memory_space<vmem>>)
      tpu.yield
    }) : () -> ()
    "tpu.region"() ({
      %run_scoped3A = tpu.sem_alloc : memref<!tpu.dma_semaphore, #tpu.memory_space<semaphore_mem>>
      %dma_start3A = arith.constant 0 : i32
      %dma_start3A_13 = arith.constant 0 : i32
      %dma_start3A_14 = tpu.memref_slice %arg2[%add3A, %dma_start3A, %dma_start3A_13] : memref<32x79x128xi32, #tpu.memory_space<hbm>> -> memref<1x79x128xi32, #tpu.memory_space<hbm>>
      %dma_start3A_15 = tpu.memref_squeeze %dma_start3A_14 : memref<1x79x128xi32, #tpu.memory_space<hbm>> -> memref<79x128xi32, #tpu.memory_space<hbm>>
      %dma_start3A_16 = arith.constant 0 : i32
      %dma_start3A_17 = arith.constant 0 : i32
      %dma_start3A_18 = tpu.memref_slice %arg2[%add3A, %dma_start3A_16, %dma_start3A_17] : memref<32x79x128xi32, #tpu.memory_space<hbm>> -> memref<1x79x128xi32, #tpu.memory_space<hbm>>
      %dma_start3A_19 = tpu.memref_squeeze %dma_start3A_18 : memref<1x79x128xi32, #tpu.memory_space<hbm>> -> memref<79x128xi32, #tpu.memory_space<hbm>>
      tpu.enqueue_dma source(%dma_start3A_19 : memref<79x128xi32, #tpu.memory_space<hbm>>) target(%arg6 : memref<79x128xi32, #tpu.memory_space<vmem>>) target_semaphore(%run_scoped3A : memref<!tpu.dma_semaphore, #tpu.memory_space<semaphore_mem>>)
      %dma_wait3A = arith.constant 0 : i32
      %dma_wait3A_20 = arith.constant 0 : i32
      %dma_wait3A_21 = tpu.memref_slice %arg2[%add3A, %dma_wait3A, %dma_wait3A_20] : memref<32x79x128xi32, #tpu.memory_space<hbm>> -> memref<1x79x128xi32, #tpu.memory_space<hbm>>
      %dma_wait3A_22 = tpu.memref_squeeze %dma_wait3A_21 : memref<1x79x128xi32, #tpu.memory_space<hbm>> -> memref<79x128xi32, #tpu.memory_space<hbm>>
      %dma_wait3A_23 = arith.constant 0 : i32
      %dma_wait3A_24 = arith.constant 0 : i32
      %dma_wait3A_25 = tpu.memref_slice %arg2[%add3A, %dma_wait3A_23, %dma_wait3A_24] : memref<32x79x128xi32, #tpu.memory_space<hbm>> -> memref<1x79x128xi32, #tpu.memory_space<hbm>>
      %dma_wait3A_26 = tpu.memref_squeeze %dma_wait3A_25 : memref<1x79x128xi32, #tpu.memory_space<hbm>> -> memref<79x128xi32, #tpu.memory_space<hbm>>
      tpu.wait_dma2 semaphore(%run_scoped3A : memref<!tpu.dma_semaphore, #tpu.memory_space<semaphore_mem>>) src(%dma_wait3A_26 : memref<79x128xi32, #tpu.memory_space<hbm>>) dst(%arg6 : memref<79x128xi32, #tpu.memory_space<vmem>>)
      tpu.yield
    }) : () -> ()
    %mul3A_1 = arith.constant 632 : i32
    %mul3A_2 = arith.muli %arg1, %mul3A_1 : i32
    "tpu.region"() ({
      %run_scoped3A = tpu.sem_alloc : memref<!tpu.dma_semaphore, #tpu.memory_space<semaphore_mem>>
      %dma_start3A = arith.constant 0 : i32
      %dma_start3A_13 = tpu.memref_slice %arg8[%mul3A_2, %dma_start3A] : memref<10112x128xf32, #tpu.memory_space<vmem_shared>> -> memref<632x128xf32, #tpu.memory_space<vmem_shared>>
      tpu.enqueue_dma source(%arg3 : memref<632x128xf32, #tpu.memory_space<hbm>>) target(%dma_start3A_13 : memref<632x128xf32, #tpu.memory_space<vmem_shared>>) target_semaphore(%run_scoped3A : memref<!tpu.dma_semaphore, #tpu.memory_space<semaphore_mem>>)
      %dma_wait3A = arith.constant 0 : i32
      %dma_wait3A_14 = tpu.memref_slice %arg8[%mul3A_2, %dma_wait3A] : memref<10112x128xf32, #tpu.memory_space<vmem_shared>> -> memref<632x128xf32, #tpu.memory_space<vmem_shared>>
      tpu.wait_dma2 semaphore(%run_scoped3A : memref<!tpu.dma_semaphore, #tpu.memory_space<semaphore_mem>>) src(%arg3 : memref<632x128xf32, #tpu.memory_space<hbm>>) dst(%dma_wait3A_14 : memref<632x128xf32, #tpu.memory_space<vmem_shared>>)
      tpu.yield
    }) : () -> ()
    %barrier3A = arith.constant 0 : index
    tpu.barrier barrier_id(%barrier3A)
    %scan3A = arith.constant 0 : i32
    %scan3A_3 = arith.constant 0 : i32
    %scan3A_4 = arith.constant 79 : i32
    %scan3A_5 = arith.addi %scan3A_3, %scan3A_4 : i32
    %scan3A_6 = arith.constant 1 : i32
    scf.for %scan3A_13 = %scan3A_3 to %scan3A_5 step %scan3A_6  : i32 {
      "tpu.region"() ({
        %run_scoped3A = tpu.sem_alloc : memref<!tpu.dma_semaphore, #tpu.memory_space<semaphore_mem>>
        %dma_start3A = arith.constant 0 : i32
        %dma_start3A_14 = tpu.memref_slice %arg6[%scan3A_13, %dma_start3A] : memref<79x128xi32, #tpu.memory_space<vmem>> -> memref<1x128xi32, #tpu.memory_space<vmem>>
        %dma_start3A_15 = tpu.memref_squeeze %dma_start3A_14 : memref<1x128xi32, #tpu.memory_space<vmem>> -> memref<128xi32, #tpu.memory_space<vmem>>
        %dma_start3A_16 = arith.constant 0 : i32
        %dma_start3A_17 = arith.constant 0 : i32
        %dma_start3A_18 = tpu.memref_slice %arg8[%dma_start3A_16, %dma_start3A_17] : memref<10112x128xf32, #tpu.memory_space<vmem_shared>> -> memref<10112x128xf32, #tpu.memory_space<vmem_shared>>
        tpu.enqueue_indirect_dma source(%arg7 : memref<128x128xf32, #tpu.memory_space<vmem>>) target(%dma_start3A_18 : memref<10112x128xf32, #tpu.memory_space<vmem_shared>>) offsets(%dma_start3A_15 : memref<128xi32, #tpu.memory_space<vmem>>) semaphore(%run_scoped3A : memref<!tpu.dma_semaphore, #tpu.memory_space<semaphore_mem>>) {add = true}
        %dma_wait3A = arith.constant 0 : i32
        %dma_wait3A_19 = tpu.memref_slice %arg6[%scan3A_13, %dma_wait3A] : memref<79x128xi32, #tpu.memory_space<vmem>> -> memref<1x128xi32, #tpu.memory_space<vmem>>
        %dma_wait3A_20 = tpu.memref_squeeze %dma_wait3A_19 : memref<1x128xi32, #tpu.memory_space<vmem>> -> memref<128xi32, #tpu.memory_space<vmem>>
        %dma_wait3A_21 = arith.constant 0 : i32
        %dma_wait3A_22 = arith.constant 0 : i32
        %dma_wait3A_23 = tpu.memref_slice %arg8[%dma_wait3A_21, %dma_wait3A_22] : memref<10112x128xf32, #tpu.memory_space<vmem_shared>> -> memref<10112x128xf32, #tpu.memory_space<vmem_shared>>
        tpu.wait_indirect_dma semaphore(%run_scoped3A : memref<!tpu.dma_semaphore, #tpu.memory_space<semaphore_mem>>) src(%arg7 : memref<128x128xf32, #tpu.memory_space<vmem>>) dst(%dma_wait3A_23 : memref<10112x128xf32, #tpu.memory_space<vmem_shared>>)
        tpu.yield
      }) : () -> ()
    }
    %scan3A_7 = arith.constant 79 : i32
    %barrier3A_8 = arith.constant 0 : index
    tpu.barrier barrier_id(%barrier3A_8)
    %mul3A_9 = arith.constant 632 : i32
    %mul3A_10 = arith.muli %arg1, %mul3A_9 : i32
    %mul3A_11 = arith.constant 632 : i32
    %mul3A_12 = arith.muli %arg1, %mul3A_11 : i32
    "tpu.region"() ({
      %run_scoped3A = tpu.sem_alloc : memref<!tpu.dma_semaphore, #tpu.memory_space<semaphore_mem>>
      %dma_start3A = arith.constant 0 : i32
      %dma_start3A_13 = tpu.memref_slice %arg5[%arg0, %mul3A_12, %dma_start3A] : memref<2x10112x128xf32, #tpu.memory_space<hbm>> -> memref<1x632x128xf32, #tpu.memory_space<hbm>>
      %dma_start3A_14 = tpu.memref_squeeze %dma_start3A_13 : memref<1x632x128xf32, #tpu.memory_space<hbm>> -> memref<632x128xf32, #tpu.memory_space<hbm>>
      %dma_start3A_15 = arith.constant 0 : i32
      %dma_start3A_16 = tpu.memref_slice %arg8[%mul3A_10, %dma_start3A_15] : memref<10112x128xf32, #tpu.memory_space<vmem_shared>> -> memref<632x128xf32, #tpu.memory_space<vmem_shared>>
      tpu.enqueue_dma source(%dma_start3A_16 : memref<632x128xf32, #tpu.memory_space<vmem_shared>>) target(%dma_start3A_14 : memref<632x128xf32, #tpu.memory_space<hbm>>) target_semaphore(%run_scoped3A : memref<!tpu.dma_semaphore, #tpu.memory_space<semaphore_mem>>)
      %dma_wait3A = arith.constant 0 : i32
      %dma_wait3A_17 = tpu.memref_slice %arg5[%arg0, %mul3A_12, %dma_wait3A] : memref<2x10112x128xf32, #tpu.memory_space<hbm>> -> memref<1x632x128xf32, #tpu.memory_space<hbm>>
      %dma_wait3A_18 = tpu.memref_squeeze %dma_wait3A_17 : memref<1x632x128xf32, #tpu.memory_space<hbm>> -> memref<632x128xf32, #tpu.memory_space<hbm>>
      %dma_wait3A_19 = arith.constant 0 : i32
      %dma_wait3A_20 = tpu.memref_slice %arg8[%mul3A_10, %dma_wait3A_19] : memref<10112x128xf32, #tpu.memory_space<vmem_shared>> -> memref<632x128xf32, #tpu.memory_space<vmem_shared>>
      tpu.wait_dma2 semaphore(%run_scoped3A : memref<!tpu.dma_semaphore, #tpu.memory_space<semaphore_mem>>) src(%dma_wait3A_20 : memref<632x128xf32, #tpu.memory_space<vmem_shared>>) dst(%dma_wait3A_18 : memref<632x128xf32, #tpu.memory_space<hbm>>)
      tpu.yield
    }) : () -> ()
    return
  }
}

#map = affine_map<(d0, d1) -> (0, 0)>
#map1 = affine_map<(d0, d1) -> (0, 0, 0)>
module attributes {stable_mosaic.version = 14 : i64} {
  func.func @scat_kernel(%arg0: i32, %arg1: i32, %arg2: memref<10000x128xf32, #tpu.memory_space<hbm>>, %arg3: memref<32x79x128xi32, #tpu.memory_space<hbm>>, %arg4: memref<32x79x128xi32, #tpu.memory_space<hbm>>, %arg5: memref<632x128xf32, #tpu.memory_space<hbm>>, %arg6: memref<2x10112x128xf32, #tpu.memory_space<hbm>>, %arg7: memref<79x128xi32, #tpu.memory_space<vmem>>, %arg8: memref<79x128xi32, #tpu.memory_space<vmem>>, %arg9: memref<128x128xf32, #tpu.memory_space<vmem>>, %arg10: memref<10112x128xf32, #tpu.memory_space<vmem_shared>>, %arg11: memref<!tpu.dma_semaphore, #tpu.memory_space<semaphore_mem>>) attributes {dimension_semantics = [#tpu.dimension_semantics<core_parallel>, #tpu.dimension_semantics<subcore_parallel>], iteration_bounds = array<i64: 2, 16>, scalar_prefetch = 0 : i64, scratch_operands = 5 : i64, tpu.core_type = #tpu.core_type<sc_vector_subcore>, window_params = [{transform_indices = #map}, {transform_indices = #map1}, {transform_indices = #map1}, {transform_indices = #map}, {transform_indices = #map1}]} {
    %mul3A = arith.constant 16 : i32
    %mul3A_0 = arith.muli %arg0, %mul3A : i32
    %add3A = arith.addi %mul3A_0, %arg1 : i32
    "tpu.region"() ({
      %run_scoped3A = tpu.sem_alloc : memref<!tpu.dma_semaphore, #tpu.memory_space<semaphore_mem>>
      %dma_start3A = arith.constant 0 : i32
      %dma_start3A_13 = arith.constant 0 : i32
      %dma_start3A_14 = tpu.memref_slice %arg3[%add3A, %dma_start3A, %dma_start3A_13] : memref<32x79x128xi32, #tpu.memory_space<hbm>> -> memref<1x79x128xi32, #tpu.memory_space<hbm>>
      %dma_start3A_15 = tpu.memref_squeeze %dma_start3A_14 : memref<1x79x128xi32, #tpu.memory_space<hbm>> -> memref<79x128xi32, #tpu.memory_space<hbm>>
      %dma_start3A_16 = arith.constant 0 : i32
      %dma_start3A_17 = arith.constant 0 : i32
      %dma_start3A_18 = tpu.memref_slice %arg3[%add3A, %dma_start3A_16, %dma_start3A_17] : memref<32x79x128xi32, #tpu.memory_space<hbm>> -> memref<1x79x128xi32, #tpu.memory_space<hbm>>
      %dma_start3A_19 = tpu.memref_squeeze %dma_start3A_18 : memref<1x79x128xi32, #tpu.memory_space<hbm>> -> memref<79x128xi32, #tpu.memory_space<hbm>>
      tpu.enqueue_dma source(%dma_start3A_19 : memref<79x128xi32, #tpu.memory_space<hbm>>) target(%arg7 : memref<79x128xi32, #tpu.memory_space<vmem>>) target_semaphore(%run_scoped3A : memref<!tpu.dma_semaphore, #tpu.memory_space<semaphore_mem>>)
      %dma_wait3A = arith.constant 0 : i32
      %dma_wait3A_20 = arith.constant 0 : i32
      %dma_wait3A_21 = tpu.memref_slice %arg3[%add3A, %dma_wait3A, %dma_wait3A_20] : memref<32x79x128xi32, #tpu.memory_space<hbm>> -> memref<1x79x128xi32, #tpu.memory_space<hbm>>
      %dma_wait3A_22 = tpu.memref_squeeze %dma_wait3A_21 : memref<1x79x128xi32, #tpu.memory_space<hbm>> -> memref<79x128xi32, #tpu.memory_space<hbm>>
      %dma_wait3A_23 = arith.constant 0 : i32
      %dma_wait3A_24 = arith.constant 0 : i32
      %dma_wait3A_25 = tpu.memref_slice %arg3[%add3A, %dma_wait3A_23, %dma_wait3A_24] : memref<32x79x128xi32, #tpu.memory_space<hbm>> -> memref<1x79x128xi32, #tpu.memory_space<hbm>>
      %dma_wait3A_26 = tpu.memref_squeeze %dma_wait3A_25 : memref<1x79x128xi32, #tpu.memory_space<hbm>> -> memref<79x128xi32, #tpu.memory_space<hbm>>
      tpu.wait_dma2 semaphore(%run_scoped3A : memref<!tpu.dma_semaphore, #tpu.memory_space<semaphore_mem>>) src(%dma_wait3A_26 : memref<79x128xi32, #tpu.memory_space<hbm>>) dst(%arg7 : memref<79x128xi32, #tpu.memory_space<vmem>>)
      tpu.yield
    }) : () -> ()
    "tpu.region"() ({
      %run_scoped3A = tpu.sem_alloc : memref<!tpu.dma_semaphore, #tpu.memory_space<semaphore_mem>>
      %dma_start3A = arith.constant 0 : i32
      %dma_start3A_13 = arith.constant 0 : i32
      %dma_start3A_14 = tpu.memref_slice %arg4[%add3A, %dma_start3A, %dma_start3A_13] : memref<32x79x128xi32, #tpu.memory_space<hbm>> -> memref<1x79x128xi32, #tpu.memory_space<hbm>>
      %dma_start3A_15 = tpu.memref_squeeze %dma_start3A_14 : memref<1x79x128xi32, #tpu.memory_space<hbm>> -> memref<79x128xi32, #tpu.memory_space<hbm>>
      %dma_start3A_16 = arith.constant 0 : i32
      %dma_start3A_17 = arith.constant 0 : i32
      %dma_start3A_18 = tpu.memref_slice %arg4[%add3A, %dma_start3A_16, %dma_start3A_17] : memref<32x79x128xi32, #tpu.memory_space<hbm>> -> memref<1x79x128xi32, #tpu.memory_space<hbm>>
      %dma_start3A_19 = tpu.memref_squeeze %dma_start3A_18 : memref<1x79x128xi32, #tpu.memory_space<hbm>> -> memref<79x128xi32, #tpu.memory_space<hbm>>
      tpu.enqueue_dma source(%dma_start3A_19 : memref<79x128xi32, #tpu.memory_space<hbm>>) target(%arg8 : memref<79x128xi32, #tpu.memory_space<vmem>>) target_semaphore(%run_scoped3A : memref<!tpu.dma_semaphore, #tpu.memory_space<semaphore_mem>>)
      %dma_wait3A = arith.constant 0 : i32
      %dma_wait3A_20 = arith.constant 0 : i32
      %dma_wait3A_21 = tpu.memref_slice %arg4[%add3A, %dma_wait3A, %dma_wait3A_20] : memref<32x79x128xi32, #tpu.memory_space<hbm>> -> memref<1x79x128xi32, #tpu.memory_space<hbm>>
      %dma_wait3A_22 = tpu.memref_squeeze %dma_wait3A_21 : memref<1x79x128xi32, #tpu.memory_space<hbm>> -> memref<79x128xi32, #tpu.memory_space<hbm>>
      %dma_wait3A_23 = arith.constant 0 : i32
      %dma_wait3A_24 = arith.constant 0 : i32
      %dma_wait3A_25 = tpu.memref_slice %arg4[%add3A, %dma_wait3A_23, %dma_wait3A_24] : memref<32x79x128xi32, #tpu.memory_space<hbm>> -> memref<1x79x128xi32, #tpu.memory_space<hbm>>
      %dma_wait3A_26 = tpu.memref_squeeze %dma_wait3A_25 : memref<1x79x128xi32, #tpu.memory_space<hbm>> -> memref<79x128xi32, #tpu.memory_space<hbm>>
      tpu.wait_dma2 semaphore(%run_scoped3A : memref<!tpu.dma_semaphore, #tpu.memory_space<semaphore_mem>>) src(%dma_wait3A_26 : memref<79x128xi32, #tpu.memory_space<hbm>>) dst(%arg8 : memref<79x128xi32, #tpu.memory_space<vmem>>)
      tpu.yield
    }) : () -> ()
    %mul3A_1 = arith.constant 632 : i32
    %mul3A_2 = arith.muli %arg1, %mul3A_1 : i32
    "tpu.region"() ({
      %run_scoped3A = tpu.sem_alloc : memref<!tpu.dma_semaphore, #tpu.memory_space<semaphore_mem>>
      %dma_start3A = arith.constant 0 : i32
      %dma_start3A_13 = tpu.memref_slice %arg10[%mul3A_2, %dma_start3A] : memref<10112x128xf32, #tpu.memory_space<vmem_shared>> -> memref<632x128xf32, #tpu.memory_space<vmem_shared>>
      tpu.enqueue_dma source(%arg5 : memref<632x128xf32, #tpu.memory_space<hbm>>) target(%dma_start3A_13 : memref<632x128xf32, #tpu.memory_space<vmem_shared>>) target_semaphore(%run_scoped3A : memref<!tpu.dma_semaphore, #tpu.memory_space<semaphore_mem>>)
      %dma_wait3A = arith.constant 0 : i32
      %dma_wait3A_14 = tpu.memref_slice %arg10[%mul3A_2, %dma_wait3A] : memref<10112x128xf32, #tpu.memory_space<vmem_shared>> -> memref<632x128xf32, #tpu.memory_space<vmem_shared>>
      tpu.wait_dma2 semaphore(%run_scoped3A : memref<!tpu.dma_semaphore, #tpu.memory_space<semaphore_mem>>) src(%arg5 : memref<632x128xf32, #tpu.memory_space<hbm>>) dst(%dma_wait3A_14 : memref<632x128xf32, #tpu.memory_space<vmem_shared>>)
      tpu.yield
    }) : () -> ()
    %barrier3A = arith.constant 0 : index
    tpu.barrier barrier_id(%barrier3A)
    %scan3A = arith.constant 0 : i32
    %scan3A_3 = arith.constant 0 : i32
    %scan3A_4 = arith.constant 79 : i32
    %scan3A_5 = arith.addi %scan3A_3, %scan3A_4 : i32
    %scan3A_6 = arith.constant 1 : i32
    scf.for %scan3A_13 = %scan3A_3 to %scan3A_5 step %scan3A_6  : i32 {
      %dma_start3A = arith.constant 0 : i32
      %dma_start3A_14 = tpu.memref_slice %arg7[%scan3A_13, %dma_start3A] : memref<79x128xi32, #tpu.memory_space<vmem>> -> memref<1x128xi32, #tpu.memory_space<vmem>>
      %dma_start3A_15 = tpu.memref_squeeze %dma_start3A_14 : memref<1x128xi32, #tpu.memory_space<vmem>> -> memref<128xi32, #tpu.memory_space<vmem>>
      %dma_start3A_16 = arith.constant 0 : i32
      %dma_start3A_17 = arith.constant 0 : i32
      %dma_start3A_18 = tpu.memref_slice %arg2[%dma_start3A_16, %dma_start3A_17] : memref<10000x128xf32, #tpu.memory_space<hbm>> -> memref<10000x128xf32, #tpu.memory_space<hbm>>
      tpu.enqueue_indirect_dma source(%dma_start3A_18 : memref<10000x128xf32, #tpu.memory_space<hbm>>) target(%arg9 : memref<128x128xf32, #tpu.memory_space<vmem>>) offsets(%dma_start3A_15 : memref<128xi32, #tpu.memory_space<vmem>>) semaphore(%arg11 : memref<!tpu.dma_semaphore, #tpu.memory_space<semaphore_mem>>)
      %dma_wait3A = arith.constant 0 : i32
      %dma_wait3A_19 = tpu.memref_slice %arg7[%scan3A_13, %dma_wait3A] : memref<79x128xi32, #tpu.memory_space<vmem>> -> memref<1x128xi32, #tpu.memory_space<vmem>>
      %dma_wait3A_20 = tpu.memref_squeeze %dma_wait3A_19 : memref<1x128xi32, #tpu.memory_space<vmem>> -> memref<128xi32, #tpu.memory_space<vmem>>
      %dma_wait3A_21 = arith.constant 0 : i32
      %dma_wait3A_22 = arith.constant 0 : i32
      %dma_wait3A_23 = tpu.memref_slice %arg2[%dma_wait3A_21, %dma_wait3A_22] : memref<10000x128xf32, #tpu.memory_space<hbm>> -> memref<10000x128xf32, #tpu.memory_space<hbm>>
      tpu.wait_indirect_dma semaphore(%arg11 : memref<!tpu.dma_semaphore, #tpu.memory_space<semaphore_mem>>) src(%dma_wait3A_23 : memref<10000x128xf32, #tpu.memory_space<hbm>>) dst(%arg9 : memref<128x128xf32, #tpu.memory_space<vmem>>)
      "tpu.region"() ({
        %run_scoped3A = tpu.sem_alloc : memref<!tpu.dma_semaphore, #tpu.memory_space<semaphore_mem>>
        %dma_start3A_24 = arith.constant 0 : i32
        %dma_start3A_25 = tpu.memref_slice %arg8[%scan3A_13, %dma_start3A_24] : memref<79x128xi32, #tpu.memory_space<vmem>> -> memref<1x128xi32, #tpu.memory_space<vmem>>
        %dma_start3A_26 = tpu.memref_squeeze %dma_start3A_25 : memref<1x128xi32, #tpu.memory_space<vmem>> -> memref<128xi32, #tpu.memory_space<vmem>>
        %dma_start3A_27 = arith.constant 0 : i32
        %dma_start3A_28 = arith.constant 0 : i32
        %dma_start3A_29 = tpu.memref_slice %arg10[%dma_start3A_27, %dma_start3A_28] : memref<10112x128xf32, #tpu.memory_space<vmem_shared>> -> memref<10112x128xf32, #tpu.memory_space<vmem_shared>>
        tpu.enqueue_indirect_dma source(%arg9 : memref<128x128xf32, #tpu.memory_space<vmem>>) target(%dma_start3A_29 : memref<10112x128xf32, #tpu.memory_space<vmem_shared>>) offsets(%dma_start3A_26 : memref<128xi32, #tpu.memory_space<vmem>>) semaphore(%run_scoped3A : memref<!tpu.dma_semaphore, #tpu.memory_space<semaphore_mem>>) {add = true}
        %dma_wait3A_30 = arith.constant 0 : i32
        %dma_wait3A_31 = tpu.memref_slice %arg8[%scan3A_13, %dma_wait3A_30] : memref<79x128xi32, #tpu.memory_space<vmem>> -> memref<1x128xi32, #tpu.memory_space<vmem>>
        %dma_wait3A_32 = tpu.memref_squeeze %dma_wait3A_31 : memref<1x128xi32, #tpu.memory_space<vmem>> -> memref<128xi32, #tpu.memory_space<vmem>>
        %dma_wait3A_33 = arith.constant 0 : i32
        %dma_wait3A_34 = arith.constant 0 : i32
        %dma_wait3A_35 = tpu.memref_slice %arg10[%dma_wait3A_33, %dma_wait3A_34] : memref<10112x128xf32, #tpu.memory_space<vmem_shared>> -> memref<10112x128xf32, #tpu.memory_space<vmem_shared>>
        tpu.wait_indirect_dma semaphore(%run_scoped3A : memref<!tpu.dma_semaphore, #tpu.memory_space<semaphore_mem>>) src(%arg9 : memref<128x128xf32, #tpu.memory_space<vmem>>) dst(%dma_wait3A_35 : memref<10112x128xf32, #tpu.memory_space<vmem_shared>>)
        tpu.yield
      }) : () -> ()
    }
    %scan3A_7 = arith.constant 79 : i32
    %barrier3A_8 = arith.constant 0 : index
    tpu.barrier barrier_id(%barrier3A_8)
    %mul3A_9 = arith.constant 632 : i32
    %mul3A_10 = arith.muli %arg1, %mul3A_9 : i32
    %mul3A_11 = arith.constant 632 : i32
    %mul3A_12 = arith.muli %arg1, %mul3A_11 : i32
    "tpu.region"() ({
      %run_scoped3A = tpu.sem_alloc : memref<!tpu.dma_semaphore, #tpu.memory_space<semaphore_mem>>
      %dma_start3A = arith.constant 0 : i32
      %dma_start3A_13 = tpu.memref_slice %arg6[%arg0, %mul3A_12, %dma_start3A] : memref<2x10112x128xf32, #tpu.memory_space<hbm>> -> memref<1x632x128xf32, #tpu.memory_space<hbm>>
      %dma_start3A_14 = tpu.memref_squeeze %dma_start3A_13 : memref<1x632x128xf32, #tpu.memory_space<hbm>> -> memref<632x128xf32, #tpu.memory_space<hbm>>
      %dma_start3A_15 = arith.constant 0 : i32
      %dma_start3A_16 = tpu.memref_slice %arg10[%mul3A_10, %dma_start3A_15] : memref<10112x128xf32, #tpu.memory_space<vmem_shared>> -> memref<632x128xf32, #tpu.memory_space<vmem_shared>>
      tpu.enqueue_dma source(%dma_start3A_16 : memref<632x128xf32, #tpu.memory_space<vmem_shared>>) target(%dma_start3A_14 : memref<632x128xf32, #tpu.memory_space<hbm>>) target_semaphore(%run_scoped3A : memref<!tpu.dma_semaphore, #tpu.memory_space<semaphore_mem>>)
      %dma_wait3A = arith.constant 0 : i32
      %dma_wait3A_17 = tpu.memref_slice %arg6[%arg0, %mul3A_12, %dma_wait3A] : memref<2x10112x128xf32, #tpu.memory_space<hbm>> -> memref<1x632x128xf32, #tpu.memory_space<hbm>>
      %dma_wait3A_18 = tpu.memref_squeeze %dma_wait3A_17 : memref<1x632x128xf32, #tpu.memory_space<hbm>> -> memref<632x128xf32, #tpu.memory_space<hbm>>
      %dma_wait3A_19 = arith.constant 0 : i32
      %dma_wait3A_20 = tpu.memref_slice %arg10[%mul3A_10, %dma_wait3A_19] : memref<10112x128xf32, #tpu.memory_space<vmem_shared>> -> memref<632x128xf32, #tpu.memory_space<vmem_shared>>
      tpu.wait_dma2 semaphore(%run_scoped3A : memref<!tpu.dma_semaphore, #tpu.memory_space<semaphore_mem>>) src(%dma_wait3A_20 : memref<632x128xf32, #tpu.memory_space<vmem_shared>>) dst(%dma_wait3A_18 : memref<632x128xf32, #tpu.memory_space<hbm>>)
      tpu.yield
    }) : () -> ()
    return
  }
}

#map = affine_map<(d0, d1) -> (0, 0)>
#map1 = affine_map<(d0, d1) -> (0, 0, 0)>
module attributes {stable_mosaic.version = 14 : i64} {
  func.func @scat_kernel(%arg0: i32, %arg1: i32, %arg2: memref<10000x128xf32, #tpu.memory_space<hbm>>, %arg3: memref<32x79x128xi32, #tpu.memory_space<hbm>>, %arg4: memref<32x79x128xi32, #tpu.memory_space<hbm>>, %arg5: memref<632x128xf32, #tpu.memory_space<hbm>>, %arg6: memref<2x10112x128xf32, #tpu.memory_space<hbm>>, %arg7: memref<79x128xi32, #tpu.memory_space<vmem>>, %arg8: memref<79x128xi32, #tpu.memory_space<vmem>>, %arg9: memref<128x128xf32, #tpu.memory_space<vmem>>, %arg10: memref<10112x128xf32, #tpu.memory_space<vmem_shared>>, %arg11: memref<!tpu.dma_semaphore, #tpu.memory_space<semaphore_mem>>) attributes {dimension_semantics = [#tpu.dimension_semantics<core_parallel>, #tpu.dimension_semantics<subcore_parallel>], iteration_bounds = array<i64: 2, 16>, scalar_prefetch = 0 : i64, scratch_operands = 5 : i64, tpu.core_type = #tpu.core_type<sc_vector_subcore>, window_params = [{transform_indices = #map}, {transform_indices = #map1}, {transform_indices = #map1}, {transform_indices = #map}, {transform_indices = #map1}]} {
    %mul3A = arith.constant 16 : i32
    %mul3A_0 = arith.muli %arg0, %mul3A : i32
    %add3A = arith.addi %mul3A_0, %arg1 : i32
    "tpu.region"() ({
      %run_scoped3A = tpu.sem_alloc : memref<!tpu.dma_semaphore, #tpu.memory_space<semaphore_mem>>
      %dma_start3A = arith.constant 0 : i32
      %dma_start3A_13 = arith.constant 0 : i32
      %dma_start3A_14 = tpu.memref_slice %arg3[%add3A, %dma_start3A, %dma_start3A_13] : memref<32x79x128xi32, #tpu.memory_space<hbm>> -> memref<1x79x128xi32, #tpu.memory_space<hbm>>
      %dma_start3A_15 = tpu.memref_squeeze %dma_start3A_14 : memref<1x79x128xi32, #tpu.memory_space<hbm>> -> memref<79x128xi32, #tpu.memory_space<hbm>>
      %dma_start3A_16 = arith.constant 0 : i32
      %dma_start3A_17 = arith.constant 0 : i32
      %dma_start3A_18 = tpu.memref_slice %arg3[%add3A, %dma_start3A_16, %dma_start3A_17] : memref<32x79x128xi32, #tpu.memory_space<hbm>> -> memref<1x79x128xi32, #tpu.memory_space<hbm>>
      %dma_start3A_19 = tpu.memref_squeeze %dma_start3A_18 : memref<1x79x128xi32, #tpu.memory_space<hbm>> -> memref<79x128xi32, #tpu.memory_space<hbm>>
      tpu.enqueue_dma source(%dma_start3A_19 : memref<79x128xi32, #tpu.memory_space<hbm>>) target(%arg7 : memref<79x128xi32, #tpu.memory_space<vmem>>) target_semaphore(%run_scoped3A : memref<!tpu.dma_semaphore, #tpu.memory_space<semaphore_mem>>)
      %dma_wait3A = arith.constant 0 : i32
      %dma_wait3A_20 = arith.constant 0 : i32
      %dma_wait3A_21 = tpu.memref_slice %arg3[%add3A, %dma_wait3A, %dma_wait3A_20] : memref<32x79x128xi32, #tpu.memory_space<hbm>> -> memref<1x79x128xi32, #tpu.memory_space<hbm>>
      %dma_wait3A_22 = tpu.memref_squeeze %dma_wait3A_21 : memref<1x79x128xi32, #tpu.memory_space<hbm>> -> memref<79x128xi32, #tpu.memory_space<hbm>>
      %dma_wait3A_23 = arith.constant 0 : i32
      %dma_wait3A_24 = arith.constant 0 : i32
      %dma_wait3A_25 = tpu.memref_slice %arg3[%add3A, %dma_wait3A_23, %dma_wait3A_24] : memref<32x79x128xi32, #tpu.memory_space<hbm>> -> memref<1x79x128xi32, #tpu.memory_space<hbm>>
      %dma_wait3A_26 = tpu.memref_squeeze %dma_wait3A_25 : memref<1x79x128xi32, #tpu.memory_space<hbm>> -> memref<79x128xi32, #tpu.memory_space<hbm>>
      tpu.wait_dma2 semaphore(%run_scoped3A : memref<!tpu.dma_semaphore, #tpu.memory_space<semaphore_mem>>) src(%dma_wait3A_26 : memref<79x128xi32, #tpu.memory_space<hbm>>) dst(%arg7 : memref<79x128xi32, #tpu.memory_space<vmem>>)
      tpu.yield
    }) : () -> ()
    "tpu.region"() ({
      %run_scoped3A = tpu.sem_alloc : memref<!tpu.dma_semaphore, #tpu.memory_space<semaphore_mem>>
      %dma_start3A = arith.constant 0 : i32
      %dma_start3A_13 = arith.constant 0 : i32
      %dma_start3A_14 = tpu.memref_slice %arg4[%add3A, %dma_start3A, %dma_start3A_13] : memref<32x79x128xi32, #tpu.memory_space<hbm>> -> memref<1x79x128xi32, #tpu.memory_space<hbm>>
      %dma_start3A_15 = tpu.memref_squeeze %dma_start3A_14 : memref<1x79x128xi32, #tpu.memory_space<hbm>> -> memref<79x128xi32, #tpu.memory_space<hbm>>
      %dma_start3A_16 = arith.constant 0 : i32
      %dma_start3A_17 = arith.constant 0 : i32
      %dma_start3A_18 = tpu.memref_slice %arg4[%add3A, %dma_start3A_16, %dma_start3A_17] : memref<32x79x128xi32, #tpu.memory_space<hbm>> -> memref<1x79x128xi32, #tpu.memory_space<hbm>>
      %dma_start3A_19 = tpu.memref_squeeze %dma_start3A_18 : memref<1x79x128xi32, #tpu.memory_space<hbm>> -> memref<79x128xi32, #tpu.memory_space<hbm>>
      tpu.enqueue_dma source(%dma_start3A_19 : memref<79x128xi32, #tpu.memory_space<hbm>>) target(%arg8 : memref<79x128xi32, #tpu.memory_space<vmem>>) target_semaphore(%run_scoped3A : memref<!tpu.dma_semaphore, #tpu.memory_space<semaphore_mem>>)
      %dma_wait3A = arith.constant 0 : i32
      %dma_wait3A_20 = arith.constant 0 : i32
      %dma_wait3A_21 = tpu.memref_slice %arg4[%add3A, %dma_wait3A, %dma_wait3A_20] : memref<32x79x128xi32, #tpu.memory_space<hbm>> -> memref<1x79x128xi32, #tpu.memory_space<hbm>>
      %dma_wait3A_22 = tpu.memref_squeeze %dma_wait3A_21 : memref<1x79x128xi32, #tpu.memory_space<hbm>> -> memref<79x128xi32, #tpu.memory_space<hbm>>
      %dma_wait3A_23 = arith.constant 0 : i32
      %dma_wait3A_24 = arith.constant 0 : i32
      %dma_wait3A_25 = tpu.memref_slice %arg4[%add3A, %dma_wait3A_23, %dma_wait3A_24] : memref<32x79x128xi32, #tpu.memory_space<hbm>> -> memref<1x79x128xi32, #tpu.memory_space<hbm>>
      %dma_wait3A_26 = tpu.memref_squeeze %dma_wait3A_25 : memref<1x79x128xi32, #tpu.memory_space<hbm>> -> memref<79x128xi32, #tpu.memory_space<hbm>>
      tpu.wait_dma2 semaphore(%run_scoped3A : memref<!tpu.dma_semaphore, #tpu.memory_space<semaphore_mem>>) src(%dma_wait3A_26 : memref<79x128xi32, #tpu.memory_space<hbm>>) dst(%arg8 : memref<79x128xi32, #tpu.memory_space<vmem>>)
      tpu.yield
    }) : () -> ()
    %mul3A_1 = arith.constant 632 : i32
    %mul3A_2 = arith.muli %arg1, %mul3A_1 : i32
    "tpu.region"() ({
      %run_scoped3A = tpu.sem_alloc : memref<!tpu.dma_semaphore, #tpu.memory_space<semaphore_mem>>
      %dma_start3A = arith.constant 0 : i32
      %dma_start3A_13 = tpu.memref_slice %arg10[%mul3A_2, %dma_start3A] : memref<10112x128xf32, #tpu.memory_space<vmem_shared>> -> memref<632x128xf32, #tpu.memory_space<vmem_shared>>
      tpu.enqueue_dma source(%arg5 : memref<632x128xf32, #tpu.memory_space<hbm>>) target(%dma_start3A_13 : memref<632x128xf32, #tpu.memory_space<vmem_shared>>) target_semaphore(%run_scoped3A : memref<!tpu.dma_semaphore, #tpu.memory_space<semaphore_mem>>)
      %dma_wait3A = arith.constant 0 : i32
      %dma_wait3A_14 = tpu.memref_slice %arg10[%mul3A_2, %dma_wait3A] : memref<10112x128xf32, #tpu.memory_space<vmem_shared>> -> memref<632x128xf32, #tpu.memory_space<vmem_shared>>
      tpu.wait_dma2 semaphore(%run_scoped3A : memref<!tpu.dma_semaphore, #tpu.memory_space<semaphore_mem>>) src(%arg5 : memref<632x128xf32, #tpu.memory_space<hbm>>) dst(%dma_wait3A_14 : memref<632x128xf32, #tpu.memory_space<vmem_shared>>)
      tpu.yield
    }) : () -> ()
    %barrier3A = arith.constant 0 : index
    tpu.barrier barrier_id(%barrier3A)
    %scan3A = arith.constant 0 : i32
    %scan3A_3 = arith.constant 0 : i32
    %scan3A_4 = arith.constant 79 : i32
    %scan3A_5 = arith.addi %scan3A_3, %scan3A_4 : i32
    %scan3A_6 = arith.constant 1 : i32
    scf.for %scan3A_13 = %scan3A_3 to %scan3A_5 step %scan3A_6  : i32 {
      %dma_start3A = arith.constant 0 : i32
      %dma_start3A_14 = tpu.memref_slice %arg7[%scan3A_13, %dma_start3A] : memref<79x128xi32, #tpu.memory_space<vmem>> -> memref<1x128xi32, #tpu.memory_space<vmem>>
      %dma_start3A_15 = tpu.memref_squeeze %dma_start3A_14 : memref<1x128xi32, #tpu.memory_space<vmem>> -> memref<128xi32, #tpu.memory_space<vmem>>
      %dma_start3A_16 = arith.constant 0 : i32
      %dma_start3A_17 = arith.constant 0 : i32
      %dma_start3A_18 = tpu.memref_slice %arg2[%dma_start3A_16, %dma_start3A_17] : memref<10000x128xf32, #tpu.memory_space<hbm>> -> memref<10000x128xf32, #tpu.memory_space<hbm>>
      tpu.enqueue_indirect_dma source(%dma_start3A_18 : memref<10000x128xf32, #tpu.memory_space<hbm>>) target(%arg9 : memref<128x128xf32, #tpu.memory_space<vmem>>) offsets(%dma_start3A_15 : memref<128xi32, #tpu.memory_space<vmem>>) semaphore(%arg11 : memref<!tpu.dma_semaphore, #tpu.memory_space<semaphore_mem>>)
      %dma_wait3A = arith.constant 0 : i32
      %dma_wait3A_19 = tpu.memref_slice %arg7[%scan3A_13, %dma_wait3A] : memref<79x128xi32, #tpu.memory_space<vmem>> -> memref<1x128xi32, #tpu.memory_space<vmem>>
      %dma_wait3A_20 = tpu.memref_squeeze %dma_wait3A_19 : memref<1x128xi32, #tpu.memory_space<vmem>> -> memref<128xi32, #tpu.memory_space<vmem>>
      %dma_wait3A_21 = arith.constant 0 : i32
      %dma_wait3A_22 = arith.constant 0 : i32
      %dma_wait3A_23 = tpu.memref_slice %arg2[%dma_wait3A_21, %dma_wait3A_22] : memref<10000x128xf32, #tpu.memory_space<hbm>> -> memref<10000x128xf32, #tpu.memory_space<hbm>>
      tpu.wait_indirect_dma semaphore(%arg11 : memref<!tpu.dma_semaphore, #tpu.memory_space<semaphore_mem>>) src(%dma_wait3A_23 : memref<10000x128xf32, #tpu.memory_space<hbm>>) dst(%arg9 : memref<128x128xf32, #tpu.memory_space<vmem>>)
      "tpu.region"() ({
        %run_scoped3A = tpu.sem_alloc : memref<!tpu.dma_semaphore, #tpu.memory_space<semaphore_mem>>
        %dma_start3A_24 = arith.constant 0 : i32
        %dma_start3A_25 = tpu.memref_slice %arg8[%scan3A_13, %dma_start3A_24] : memref<79x128xi32, #tpu.memory_space<vmem>> -> memref<1x128xi32, #tpu.memory_space<vmem>>
        %dma_start3A_26 = tpu.memref_squeeze %dma_start3A_25 : memref<1x128xi32, #tpu.memory_space<vmem>> -> memref<128xi32, #tpu.memory_space<vmem>>
        %dma_start3A_27 = arith.constant 0 : i32
        %dma_start3A_28 = arith.constant 0 : i32
        %dma_start3A_29 = tpu.memref_slice %arg10[%dma_start3A_27, %dma_start3A_28] : memref<10112x128xf32, #tpu.memory_space<vmem_shared>> -> memref<10112x128xf32, #tpu.memory_space<vmem_shared>>
        tpu.enqueue_indirect_dma source(%arg9 : memref<128x128xf32, #tpu.memory_space<vmem>>) target(%dma_start3A_29 : memref<10112x128xf32, #tpu.memory_space<vmem_shared>>) offsets(%dma_start3A_26 : memref<128xi32, #tpu.memory_space<vmem>>) semaphore(%run_scoped3A : memref<!tpu.dma_semaphore, #tpu.memory_space<semaphore_mem>>) {add = true}
        %dma_wait3A_30 = arith.constant 0 : i32
        %dma_wait3A_31 = tpu.memref_slice %arg8[%scan3A_13, %dma_wait3A_30] : memref<79x128xi32, #tpu.memory_space<vmem>> -> memref<1x128xi32, #tpu.memory_space<vmem>>
        %dma_wait3A_32 = tpu.memref_squeeze %dma_wait3A_31 : memref<1x128xi32, #tpu.memory_space<vmem>> -> memref<128xi32, #tpu.memory_space<vmem>>
        %dma_wait3A_33 = arith.constant 0 : i32
        %dma_wait3A_34 = arith.constant 0 : i32
        %dma_wait3A_35 = tpu.memref_slice %arg10[%dma_wait3A_33, %dma_wait3A_34] : memref<10112x128xf32, #tpu.memory_space<vmem_shared>> -> memref<10112x128xf32, #tpu.memory_space<vmem_shared>>
        tpu.wait_indirect_dma semaphore(%run_scoped3A : memref<!tpu.dma_semaphore, #tpu.memory_space<semaphore_mem>>) src(%arg9 : memref<128x128xf32, #tpu.memory_space<vmem>>) dst(%dma_wait3A_35 : memref<10112x128xf32, #tpu.memory_space<vmem_shared>>)
        tpu.yield
      }) : () -> ()
    }
    %scan3A_7 = arith.constant 79 : i32
    %barrier3A_8 = arith.constant 0 : index
    tpu.barrier barrier_id(%barrier3A_8)
    %mul3A_9 = arith.constant 632 : i32
    %mul3A_10 = arith.muli %arg1, %mul3A_9 : i32
    %mul3A_11 = arith.constant 632 : i32
    %mul3A_12 = arith.muli %arg1, %mul3A_11 : i32
    "tpu.region"() ({
      %run_scoped3A = tpu.sem_alloc : memref<!tpu.dma_semaphore, #tpu.memory_space<semaphore_mem>>
      %dma_start3A = arith.constant 0 : i32
      %dma_start3A_13 = tpu.memref_slice %arg6[%arg0, %mul3A_12, %dma_start3A] : memref<2x10112x128xf32, #tpu.memory_space<hbm>> -> memref<1x632x128xf32, #tpu.memory_space<hbm>>
      %dma_start3A_14 = tpu.memref_squeeze %dma_start3A_13 : memref<1x632x128xf32, #tpu.memory_space<hbm>> -> memref<632x128xf32, #tpu.memory_space<hbm>>
      %dma_start3A_15 = arith.constant 0 : i32
      %dma_start3A_16 = tpu.memref_slice %arg10[%mul3A_10, %dma_start3A_15] : memref<10112x128xf32, #tpu.memory_space<vmem_shared>> -> memref<632x128xf32, #tpu.memory_space<vmem_shared>>
      tpu.enqueue_dma source(%dma_start3A_16 : memref<632x128xf32, #tpu.memory_space<vmem_shared>>) target(%dma_start3A_14 : memref<632x128xf32, #tpu.memory_space<hbm>>) target_semaphore(%run_scoped3A : memref<!tpu.dma_semaphore, #tpu.memory_space<semaphore_mem>>)
      %dma_wait3A = arith.constant 0 : i32
      %dma_wait3A_17 = tpu.memref_slice %arg6[%arg0, %mul3A_12, %dma_wait3A] : memref<2x10112x128xf32, #tpu.memory_space<hbm>> -> memref<1x632x128xf32, #tpu.memory_space<hbm>>
      %dma_wait3A_18 = tpu.memref_squeeze %dma_wait3A_17 : memref<1x632x128xf32, #tpu.memory_space<hbm>> -> memref<632x128xf32, #tpu.memory_space<hbm>>
      %dma_wait3A_19 = arith.constant 0 : i32
      %dma_wait3A_20 = tpu.memref_slice %arg10[%mul3A_10, %dma_wait3A_19] : memref<10112x128xf32, #tpu.memory_space<vmem_shared>> -> memref<632x128xf32, #tpu.memory_space<vmem_shared>>
      tpu.wait_dma2 semaphore(%run_scoped3A : memref<!tpu.dma_semaphore, #tpu.memory_space<semaphore_mem>>) src(%dma_wait3A_20 : memref<632x128xf32, #tpu.memory_space<vmem_shared>>) dst(%dma_wait3A_18 : memref<632x128xf32, #tpu.memory_space<hbm>>)
      tpu.yield
    }) : () -> ()
    return
  }
}

#map = affine_map<(d0, d1) -> (0, 0)>
#map1 = affine_map<(d0, d1) -> (0, 0, 0)>
module attributes {stable_mosaic.version = 14 : i64} {
  func.func @scat_kernel(%arg0: i32, %arg1: i32, %arg2: memref<10000x128xf32, #tpu.memory_space<hbm>>, %arg3: memref<32x79x128xi32, #tpu.memory_space<hbm>>, %arg4: memref<32x79x128xi32, #tpu.memory_space<hbm>>, %arg5: memref<632x128xf32, #tpu.memory_space<hbm>>, %arg6: memref<2x10112x128xf32, #tpu.memory_space<hbm>>, %arg7: memref<79x128xi32, #tpu.memory_space<vmem>>, %arg8: memref<79x128xi32, #tpu.memory_space<vmem>>, %arg9: memref<128x128xf32, #tpu.memory_space<vmem>>, %arg10: memref<10112x128xf32, #tpu.memory_space<vmem_shared>>, %arg11: memref<!tpu.dma_semaphore, #tpu.memory_space<semaphore_mem>>) attributes {dimension_semantics = [#tpu.dimension_semantics<core_parallel>, #tpu.dimension_semantics<subcore_parallel>], iteration_bounds = array<i64: 2, 16>, scalar_prefetch = 0 : i64, scratch_operands = 5 : i64, tpu.core_type = #tpu.core_type<sc_vector_subcore>, window_params = [{transform_indices = #map}, {transform_indices = #map1}, {transform_indices = #map1}, {transform_indices = #map}, {transform_indices = #map1}]} {
    %mul3A = arith.constant 16 : i32
    %mul3A_0 = arith.muli %arg0, %mul3A : i32
    %add3A = arith.addi %mul3A_0, %arg1 : i32
    "tpu.region"() ({
      %run_scoped3A = tpu.sem_alloc : memref<!tpu.dma_semaphore, #tpu.memory_space<semaphore_mem>>
      %dma_start3A = arith.constant 0 : i32
      %dma_start3A_13 = arith.constant 0 : i32
      %dma_start3A_14 = tpu.memref_slice %arg3[%add3A, %dma_start3A, %dma_start3A_13] : memref<32x79x128xi32, #tpu.memory_space<hbm>> -> memref<1x79x128xi32, #tpu.memory_space<hbm>>
      %dma_start3A_15 = tpu.memref_squeeze %dma_start3A_14 : memref<1x79x128xi32, #tpu.memory_space<hbm>> -> memref<79x128xi32, #tpu.memory_space<hbm>>
      %dma_start3A_16 = arith.constant 0 : i32
      %dma_start3A_17 = arith.constant 0 : i32
      %dma_start3A_18 = tpu.memref_slice %arg3[%add3A, %dma_start3A_16, %dma_start3A_17] : memref<32x79x128xi32, #tpu.memory_space<hbm>> -> memref<1x79x128xi32, #tpu.memory_space<hbm>>
      %dma_start3A_19 = tpu.memref_squeeze %dma_start3A_18 : memref<1x79x128xi32, #tpu.memory_space<hbm>> -> memref<79x128xi32, #tpu.memory_space<hbm>>
      tpu.enqueue_dma source(%dma_start3A_19 : memref<79x128xi32, #tpu.memory_space<hbm>>) target(%arg7 : memref<79x128xi32, #tpu.memory_space<vmem>>) target_semaphore(%run_scoped3A : memref<!tpu.dma_semaphore, #tpu.memory_space<semaphore_mem>>)
      %dma_wait3A = arith.constant 0 : i32
      %dma_wait3A_20 = arith.constant 0 : i32
      %dma_wait3A_21 = tpu.memref_slice %arg3[%add3A, %dma_wait3A, %dma_wait3A_20] : memref<32x79x128xi32, #tpu.memory_space<hbm>> -> memref<1x79x128xi32, #tpu.memory_space<hbm>>
      %dma_wait3A_22 = tpu.memref_squeeze %dma_wait3A_21 : memref<1x79x128xi32, #tpu.memory_space<hbm>> -> memref<79x128xi32, #tpu.memory_space<hbm>>
      %dma_wait3A_23 = arith.constant 0 : i32
      %dma_wait3A_24 = arith.constant 0 : i32
      %dma_wait3A_25 = tpu.memref_slice %arg3[%add3A, %dma_wait3A_23, %dma_wait3A_24] : memref<32x79x128xi32, #tpu.memory_space<hbm>> -> memref<1x79x128xi32, #tpu.memory_space<hbm>>
      %dma_wait3A_26 = tpu.memref_squeeze %dma_wait3A_25 : memref<1x79x128xi32, #tpu.memory_space<hbm>> -> memref<79x128xi32, #tpu.memory_space<hbm>>
      tpu.wait_dma2 semaphore(%run_scoped3A : memref<!tpu.dma_semaphore, #tpu.memory_space<semaphore_mem>>) src(%dma_wait3A_26 : memref<79x128xi32, #tpu.memory_space<hbm>>) dst(%arg7 : memref<79x128xi32, #tpu.memory_space<vmem>>)
      tpu.yield
    }) : () -> ()
    "tpu.region"() ({
      %run_scoped3A = tpu.sem_alloc : memref<!tpu.dma_semaphore, #tpu.memory_space<semaphore_mem>>
      %dma_start3A = arith.constant 0 : i32
      %dma_start3A_13 = arith.constant 0 : i32
      %dma_start3A_14 = tpu.memref_slice %arg4[%add3A, %dma_start3A, %dma_start3A_13] : memref<32x79x128xi32, #tpu.memory_space<hbm>> -> memref<1x79x128xi32, #tpu.memory_space<hbm>>
      %dma_start3A_15 = tpu.memref_squeeze %dma_start3A_14 : memref<1x79x128xi32, #tpu.memory_space<hbm>> -> memref<79x128xi32, #tpu.memory_space<hbm>>
      %dma_start3A_16 = arith.constant 0 : i32
      %dma_start3A_17 = arith.constant 0 : i32
      %dma_start3A_18 = tpu.memref_slice %arg4[%add3A, %dma_start3A_16, %dma_start3A_17] : memref<32x79x128xi32, #tpu.memory_space<hbm>> -> memref<1x79x128xi32, #tpu.memory_space<hbm>>
      %dma_start3A_19 = tpu.memref_squeeze %dma_start3A_18 : memref<1x79x128xi32, #tpu.memory_space<hbm>> -> memref<79x128xi32, #tpu.memory_space<hbm>>
      tpu.enqueue_dma source(%dma_start3A_19 : memref<79x128xi32, #tpu.memory_space<hbm>>) target(%arg8 : memref<79x128xi32, #tpu.memory_space<vmem>>) target_semaphore(%run_scoped3A : memref<!tpu.dma_semaphore, #tpu.memory_space<semaphore_mem>>)
      %dma_wait3A = arith.constant 0 : i32
      %dma_wait3A_20 = arith.constant 0 : i32
      %dma_wait3A_21 = tpu.memref_slice %arg4[%add3A, %dma_wait3A, %dma_wait3A_20] : memref<32x79x128xi32, #tpu.memory_space<hbm>> -> memref<1x79x128xi32, #tpu.memory_space<hbm>>
      %dma_wait3A_22 = tpu.memref_squeeze %dma_wait3A_21 : memref<1x79x128xi32, #tpu.memory_space<hbm>> -> memref<79x128xi32, #tpu.memory_space<hbm>>
      %dma_wait3A_23 = arith.constant 0 : i32
      %dma_wait3A_24 = arith.constant 0 : i32
      %dma_wait3A_25 = tpu.memref_slice %arg4[%add3A, %dma_wait3A_23, %dma_wait3A_24] : memref<32x79x128xi32, #tpu.memory_space<hbm>> -> memref<1x79x128xi32, #tpu.memory_space<hbm>>
      %dma_wait3A_26 = tpu.memref_squeeze %dma_wait3A_25 : memref<1x79x128xi32, #tpu.memory_space<hbm>> -> memref<79x128xi32, #tpu.memory_space<hbm>>
      tpu.wait_dma2 semaphore(%run_scoped3A : memref<!tpu.dma_semaphore, #tpu.memory_space<semaphore_mem>>) src(%dma_wait3A_26 : memref<79x128xi32, #tpu.memory_space<hbm>>) dst(%arg8 : memref<79x128xi32, #tpu.memory_space<vmem>>)
      tpu.yield
    }) : () -> ()
    %mul3A_1 = arith.constant 632 : i32
    %mul3A_2 = arith.muli %arg1, %mul3A_1 : i32
    "tpu.region"() ({
      %run_scoped3A = tpu.sem_alloc : memref<!tpu.dma_semaphore, #tpu.memory_space<semaphore_mem>>
      %dma_start3A = arith.constant 0 : i32
      %dma_start3A_13 = tpu.memref_slice %arg10[%mul3A_2, %dma_start3A] : memref<10112x128xf32, #tpu.memory_space<vmem_shared>> -> memref<632x128xf32, #tpu.memory_space<vmem_shared>>
      tpu.enqueue_dma source(%arg5 : memref<632x128xf32, #tpu.memory_space<hbm>>) target(%dma_start3A_13 : memref<632x128xf32, #tpu.memory_space<vmem_shared>>) target_semaphore(%run_scoped3A : memref<!tpu.dma_semaphore, #tpu.memory_space<semaphore_mem>>)
      %dma_wait3A = arith.constant 0 : i32
      %dma_wait3A_14 = tpu.memref_slice %arg10[%mul3A_2, %dma_wait3A] : memref<10112x128xf32, #tpu.memory_space<vmem_shared>> -> memref<632x128xf32, #tpu.memory_space<vmem_shared>>
      tpu.wait_dma2 semaphore(%run_scoped3A : memref<!tpu.dma_semaphore, #tpu.memory_space<semaphore_mem>>) src(%arg5 : memref<632x128xf32, #tpu.memory_space<hbm>>) dst(%dma_wait3A_14 : memref<632x128xf32, #tpu.memory_space<vmem_shared>>)
      tpu.yield
    }) : () -> ()
    %barrier3A = arith.constant 0 : index
    tpu.barrier barrier_id(%barrier3A)
    %scan3A = arith.constant 0 : i32
    %scan3A_3 = arith.constant 0 : i32
    %scan3A_4 = arith.constant 79 : i32
    %scan3A_5 = arith.addi %scan3A_3, %scan3A_4 : i32
    %scan3A_6 = arith.constant 1 : i32
    scf.for %scan3A_13 = %scan3A_3 to %scan3A_5 step %scan3A_6  : i32 {
      %dma_start3A = arith.constant 0 : i32
      %dma_start3A_14 = tpu.memref_slice %arg7[%scan3A_13, %dma_start3A] : memref<79x128xi32, #tpu.memory_space<vmem>> -> memref<1x128xi32, #tpu.memory_space<vmem>>
      %dma_start3A_15 = tpu.memref_squeeze %dma_start3A_14 : memref<1x128xi32, #tpu.memory_space<vmem>> -> memref<128xi32, #tpu.memory_space<vmem>>
      %dma_start3A_16 = arith.constant 0 : i32
      %dma_start3A_17 = arith.constant 0 : i32
      %dma_start3A_18 = tpu.memref_slice %arg2[%dma_start3A_16, %dma_start3A_17] : memref<10000x128xf32, #tpu.memory_space<hbm>> -> memref<10000x128xf32, #tpu.memory_space<hbm>>
      tpu.enqueue_indirect_dma source(%dma_start3A_18 : memref<10000x128xf32, #tpu.memory_space<hbm>>) target(%arg9 : memref<128x128xf32, #tpu.memory_space<vmem>>) offsets(%dma_start3A_15 : memref<128xi32, #tpu.memory_space<vmem>>) semaphore(%arg11 : memref<!tpu.dma_semaphore, #tpu.memory_space<semaphore_mem>>)
      %dma_wait3A = arith.constant 0 : i32
      %dma_wait3A_19 = tpu.memref_slice %arg7[%scan3A_13, %dma_wait3A] : memref<79x128xi32, #tpu.memory_space<vmem>> -> memref<1x128xi32, #tpu.memory_space<vmem>>
      %dma_wait3A_20 = tpu.memref_squeeze %dma_wait3A_19 : memref<1x128xi32, #tpu.memory_space<vmem>> -> memref<128xi32, #tpu.memory_space<vmem>>
      %dma_wait3A_21 = arith.constant 0 : i32
      %dma_wait3A_22 = arith.constant 0 : i32
      %dma_wait3A_23 = tpu.memref_slice %arg2[%dma_wait3A_21, %dma_wait3A_22] : memref<10000x128xf32, #tpu.memory_space<hbm>> -> memref<10000x128xf32, #tpu.memory_space<hbm>>
      tpu.wait_indirect_dma semaphore(%arg11 : memref<!tpu.dma_semaphore, #tpu.memory_space<semaphore_mem>>) src(%dma_wait3A_23 : memref<10000x128xf32, #tpu.memory_space<hbm>>) dst(%arg9 : memref<128x128xf32, #tpu.memory_space<vmem>>)
      "tpu.region"() ({
        %run_scoped3A = tpu.sem_alloc : memref<!tpu.dma_semaphore, #tpu.memory_space<semaphore_mem>>
        %dma_start3A_24 = arith.constant 0 : i32
        %dma_start3A_25 = tpu.memref_slice %arg8[%scan3A_13, %dma_start3A_24] : memref<79x128xi32, #tpu.memory_space<vmem>> -> memref<1x128xi32, #tpu.memory_space<vmem>>
        %dma_start3A_26 = tpu.memref_squeeze %dma_start3A_25 : memref<1x128xi32, #tpu.memory_space<vmem>> -> memref<128xi32, #tpu.memory_space<vmem>>
        %dma_start3A_27 = arith.constant 0 : i32
        %dma_start3A_28 = arith.constant 0 : i32
        %dma_start3A_29 = tpu.memref_slice %arg10[%dma_start3A_27, %dma_start3A_28] : memref<10112x128xf32, #tpu.memory_space<vmem_shared>> -> memref<10112x128xf32, #tpu.memory_space<vmem_shared>>
        tpu.enqueue_indirect_dma source(%arg9 : memref<128x128xf32, #tpu.memory_space<vmem>>) target(%dma_start3A_29 : memref<10112x128xf32, #tpu.memory_space<vmem_shared>>) offsets(%dma_start3A_26 : memref<128xi32, #tpu.memory_space<vmem>>) semaphore(%run_scoped3A : memref<!tpu.dma_semaphore, #tpu.memory_space<semaphore_mem>>) {add = true}
        %dma_wait3A_30 = arith.constant 0 : i32
        %dma_wait3A_31 = tpu.memref_slice %arg8[%scan3A_13, %dma_wait3A_30] : memref<79x128xi32, #tpu.memory_space<vmem>> -> memref<1x128xi32, #tpu.memory_space<vmem>>
        %dma_wait3A_32 = tpu.memref_squeeze %dma_wait3A_31 : memref<1x128xi32, #tpu.memory_space<vmem>> -> memref<128xi32, #tpu.memory_space<vmem>>
        %dma_wait3A_33 = arith.constant 0 : i32
        %dma_wait3A_34 = arith.constant 0 : i32
        %dma_wait3A_35 = tpu.memref_slice %arg10[%dma_wait3A_33, %dma_wait3A_34] : memref<10112x128xf32, #tpu.memory_space<vmem_shared>> -> memref<10112x128xf32, #tpu.memory_space<vmem_shared>>
        tpu.wait_indirect_dma semaphore(%run_scoped3A : memref<!tpu.dma_semaphore, #tpu.memory_space<semaphore_mem>>) src(%arg9 : memref<128x128xf32, #tpu.memory_space<vmem>>) dst(%dma_wait3A_35 : memref<10112x128xf32, #tpu.memory_space<vmem_shared>>)
        tpu.yield
      }) : () -> ()
    }
    %scan3A_7 = arith.constant 79 : i32
    %barrier3A_8 = arith.constant 0 : index
    tpu.barrier barrier_id(%barrier3A_8)
    %mul3A_9 = arith.constant 632 : i32
    %mul3A_10 = arith.muli %arg1, %mul3A_9 : i32
    %mul3A_11 = arith.constant 632 : i32
    %mul3A_12 = arith.muli %arg1, %mul3A_11 : i32
    "tpu.region"() ({
      %run_scoped3A = tpu.sem_alloc : memref<!tpu.dma_semaphore, #tpu.memory_space<semaphore_mem>>
      %dma_start3A = arith.constant 0 : i32
      %dma_start3A_13 = tpu.memref_slice %arg6[%arg0, %mul3A_12, %dma_start3A] : memref<2x10112x128xf32, #tpu.memory_space<hbm>> -> memref<1x632x128xf32, #tpu.memory_space<hbm>>
      %dma_start3A_14 = tpu.memref_squeeze %dma_start3A_13 : memref<1x632x128xf32, #tpu.memory_space<hbm>> -> memref<632x128xf32, #tpu.memory_space<hbm>>
      %dma_start3A_15 = arith.constant 0 : i32
      %dma_start3A_16 = tpu.memref_slice %arg10[%mul3A_10, %dma_start3A_15] : memref<10112x128xf32, #tpu.memory_space<vmem_shared>> -> memref<632x128xf32, #tpu.memory_space<vmem_shared>>
      tpu.enqueue_dma source(%dma_start3A_16 : memref<632x128xf32, #tpu.memory_space<vmem_shared>>) target(%dma_start3A_14 : memref<632x128xf32, #tpu.memory_space<hbm>>) target_semaphore(%run_scoped3A : memref<!tpu.dma_semaphore, #tpu.memory_space<semaphore_mem>>)
      %dma_wait3A = arith.constant 0 : i32
      %dma_wait3A_17 = tpu.memref_slice %arg6[%arg0, %mul3A_12, %dma_wait3A] : memref<2x10112x128xf32, #tpu.memory_space<hbm>> -> memref<1x632x128xf32, #tpu.memory_space<hbm>>
      %dma_wait3A_18 = tpu.memref_squeeze %dma_wait3A_17 : memref<1x632x128xf32, #tpu.memory_space<hbm>> -> memref<632x128xf32, #tpu.memory_space<hbm>>
      %dma_wait3A_19 = arith.constant 0 : i32
      %dma_wait3A_20 = tpu.memref_slice %arg10[%mul3A_10, %dma_wait3A_19] : memref<10112x128xf32, #tpu.memory_space<vmem_shared>> -> memref<632x128xf32, #tpu.memory_space<vmem_shared>>
      tpu.wait_dma2 semaphore(%run_scoped3A : memref<!tpu.dma_semaphore, #tpu.memory_space<semaphore_mem>>) src(%dma_wait3A_20 : memref<632x128xf32, #tpu.memory_space<vmem_shared>>) dst(%dma_wait3A_18 : memref<632x128xf32, #tpu.memory_space<hbm>>)
      tpu.yield
    }) : () -> ()
    return
  }
}

module attributes {stable_mosaic.version = 14 : i64} {
  func.func @_stage_a(%arg0: memref<10000x128xf32, #tpu.memory_space<vmem>>, %arg1: memref<128x128xf32, #tpu.memory_space<vmem>>, %arg2: memref<128xf32, #tpu.memory_space<vmem>>, %arg3: memref<128x128xf32, #tpu.memory_space<vmem>>, %arg4: memref<10000x1xf32, #tpu.memory_space<vmem>>, %arg5: memref<10000x128xf32, #tpu.memory_space<vmem>>) attributes {dimension_semantics = [], scalar_prefetch = 0 : i64, scratch_operands = 0 : i64, tpu.core_type = #tpu.core_type<tc>} {
    %get3A = arith.constant 0 : index
    %get3A_0 = arith.constant 0 : index
    %get3A_1 = vector.load %arg0[%get3A, %get3A_0] : memref<10000x128xf32, #tpu.memory_space<vmem>>, vector<10000x128xf32>
    %get3A_2 = arith.constant 0 : index
    %get3A_3 = arith.constant 0 : index
    %get3A_4 = vector.load %arg1[%get3A_2, %get3A_3] : memref<128x128xf32, #tpu.memory_space<vmem>>, vector<128x128xf32>
    %dot_general3A = arith.constant dense<0.000000e+00> : vector<10000x128xf32>
    %dot_general3A_5 = tpu.matmul %get3A_1, %get3A_4, %dot_general3A {dimension_numbers = #tpu.dot_dimension_numbers<[1], [0], [0], [1], [0, 0, 1, 1], [], []>, transpose_lhs_hint = false} : vector<10000x128xf32>, vector<128x128xf32>, vector<10000x128xf32> -> vector<10000x128xf32>
    %get3A_6 = arith.constant 0 : index
    %get3A_7 = vector.load %arg2[%get3A_6] : memref<128xf32, #tpu.memory_space<vmem>>, vector<128xf32>
    %broadcast_in_dim3A = vector.shape_cast %get3A_7 : vector<128xf32> to vector<1x128xf32>
    %add3A = vector.broadcast %broadcast_in_dim3A : vector<1x128xf32> to vector<10000x128xf32>
    %add3A_8 = arith.addf %dot_general3A_5, %add3A : vector<10000x128xf32>
    %max3A = arith.constant 0.000000e+00 : f32
    %max3A_9 = vector.broadcast %max3A : f32 to vector<10000x128xf32>
    %max3A_10 = arith.maximumf %add3A_8, %max3A_9 : vector<10000x128xf32>
    %get3A_11 = arith.constant 0 : index
    %get3A_12 = arith.constant 0 : index
    %get3A_13 = vector.load %arg3[%get3A_11, %get3A_12] : memref<128x128xf32, #tpu.memory_space<vmem>>, vector<128x128xf32>
    %dot_general3A_14 = arith.constant dense<0.000000e+00> : vector<10000x128xf32>
    %dot_general3A_15 = tpu.matmul %max3A_10, %get3A_13, %dot_general3A_14 {dimension_numbers = #tpu.dot_dimension_numbers<[1], [0], [0], [1], [0, 0, 1, 1], [], []>, transpose_lhs_hint = false} : vector<10000x128xf32>, vector<128x128xf32>, vector<10000x128xf32> -> vector<10000x128xf32>
    %get3A_16 = arith.constant 0 : index
    %get3A_17 = arith.constant 0 : index
    %get3A_18 = vector.load %arg4[%get3A_16, %get3A_17] : memref<10000x1xf32, #tpu.memory_space<vmem>>, vector<10000x1xf32>
    %mul3A = vector.broadcast %get3A_18 : vector<10000x1xf32> to vector<10000x128xf32>
    %mul3A_19 = arith.mulf %dot_general3A_15, %mul3A : vector<10000x128xf32>
    %swap3A = arith.constant 0 : index
    %swap3A_20 = arith.constant 0 : index
    %swap3A_21 = vector.load %arg5[%swap3A, %swap3A_20] : memref<10000x128xf32, #tpu.memory_space<vmem>>, vector<10000x128xf32>
    tpu.vector_store %arg5[%swap3A, %swap3A_20], %mul3A_19 {strides = array<i32>} : memref<10000x128xf32, #tpu.memory_space<vmem>>, vector<10000x128xf32>,
    return
  }
}

module attributes {stable_mosaic.version = 14 : i64} {
  func.func @_stage_mid(%arg0: memref<2x10112x128xf32, #tpu.memory_space<vmem>>, %arg1: memref<10000x128xf32, #tpu.memory_space<vmem>>, %arg2: memref<10000x1xf32, #tpu.memory_space<vmem>>, %arg3: memref<128xf32, #tpu.memory_space<vmem>>, %arg4: memref<128xf32, #tpu.memory_space<vmem>>, %arg5: memref<128xf32, #tpu.memory_space<vmem>>, %arg6: memref<128x128xf32, #tpu.memory_space<vmem>>, %arg7: memref<10000x128xf32, #tpu.memory_space<vmem>>) attributes {dimension_semantics = [], scalar_prefetch = 0 : i64, scratch_operands = 0 : i64, tpu.core_type = #tpu.core_type<tc>} {
    %get3A = arith.constant 0 : index
    %get3A_0 = arith.constant 0 : index
    %get3A_1 = arith.constant 0 : index
    %get3A_2 = vector.load %arg0[%get3A, %get3A_0, %get3A_1] : memref<2x10112x128xf32, #tpu.memory_space<vmem>>, vector<1x10000x128xf32>
    %get3A_3 = vector.shape_cast %get3A_2 : vector<1x10000x128xf32> to vector<10000x128xf32>
    %get3A_4 = arith.constant 1 : index
    %get3A_5 = arith.constant 0 : index
    %get3A_6 = arith.constant 0 : index
    %get3A_7 = vector.load %arg0[%get3A_4, %get3A_5, %get3A_6] : memref<2x10112x128xf32, #tpu.memory_space<vmem>>, vector<1x10000x128xf32>
    %get3A_8 = vector.shape_cast %get3A_7 : vector<1x10000x128xf32> to vector<10000x128xf32>
    %add3A = arith.addf %get3A_3, %get3A_8 : vector<10000x128xf32>
    %get3A_9 = arith.constant 0 : index
    %get3A_10 = arith.constant 0 : index
    %get3A_11 = vector.load %arg1[%get3A_9, %get3A_10] : memref<10000x128xf32, #tpu.memory_space<vmem>>, vector<10000x128xf32>
    %add3A_12 = arith.addf %add3A, %get3A_11 : vector<10000x128xf32>
    %get3A_13 = arith.constant 0 : index
    %get3A_14 = arith.constant 0 : index
    %get3A_15 = vector.load %arg2[%get3A_13, %get3A_14] : memref<10000x1xf32, #tpu.memory_space<vmem>>, vector<10000x1xf32>
    %mul3A = vector.broadcast %get3A_15 : vector<10000x1xf32> to vector<10000x128xf32>
    %mul3A_16 = arith.mulf %add3A_12, %mul3A : vector<10000x128xf32>
    %get3A_17 = arith.constant 0 : index
    %get3A_18 = vector.load %arg3[%get3A_17] : memref<128xf32, #tpu.memory_space<vmem>>, vector<128xf32>
    %broadcast_in_dim3A = vector.shape_cast %get3A_18 : vector<128xf32> to vector<1x128xf32>
    %add3A_19 = vector.broadcast %broadcast_in_dim3A : vector<1x128xf32> to vector<10000x128xf32>
    %add3A_20 = arith.addf %mul3A_16, %add3A_19 : vector<10000x128xf32>
    %reduce_sum3A = arith.constant dense<0.000000e+00> : vector<128xf32>
    %reduce_sum3A_21 = vector.multi_reduction <add>, %add3A_20, %reduce_sum3A [0] : vector<10000x128xf32> to vector<128xf32>
    %broadcast_in_dim3A_22 = vector.shape_cast %reduce_sum3A_21 : vector<128xf32> to vector<1x128xf32>
    %div3A = arith.constant 1.000000e+04 : f32
    %div3A_23 = vector.broadcast %div3A : f32 to vector<1x128xf32>
    %div3A_24 = arith.divf %broadcast_in_dim3A_22, %div3A_23 : vector<1x128xf32>
    %sub3A = vector.broadcast %div3A_24 : vector<1x128xf32> to vector<10000x128xf32>
    %sub3A_25 = arith.subf %add3A_20, %sub3A : vector<10000x128xf32>
    %mul3A_26 = arith.mulf %sub3A_25, %sub3A_25 : vector<10000x128xf32>
    %reduce_sum3A_27 = arith.constant dense<0.000000e+00> : vector<128xf32>
    %reduce_sum3A_28 = vector.multi_reduction <add>, %mul3A_26, %reduce_sum3A_27 [0] : vector<10000x128xf32> to vector<128xf32>
    %broadcast_in_dim3A_29 = vector.shape_cast %reduce_sum3A_28 : vector<128xf32> to vector<1x128xf32>
    %div3A_30 = arith.constant 1.000000e+04 : f32
    %div3A_31 = vector.broadcast %div3A_30 : f32 to vector<1x128xf32>
    %div3A_32 = arith.divf %broadcast_in_dim3A_29, %div3A_31 : vector<1x128xf32>
    %add3A_33 = arith.constant 9.99999974E-6 : f32
    %add3A_34 = vector.broadcast %add3A_33 : f32 to vector<1x128xf32>
    %add3A_35 = arith.addf %div3A_32, %add3A_34 : vector<1x128xf32>
    %rsqrt3A = math.rsqrt %add3A_35 : vector<1x128xf32>
    %mul3A_36 = vector.broadcast %rsqrt3A : vector<1x128xf32> to vector<10000x128xf32>
    %mul3A_37 = arith.mulf %sub3A_25, %mul3A_36 : vector<10000x128xf32>
    %get3A_38 = arith.constant 0 : index
    %get3A_39 = vector.load %arg4[%get3A_38] : memref<128xf32, #tpu.memory_space<vmem>>, vector<128xf32>
    %broadcast_in_dim3A_40 = vector.shape_cast %get3A_39 : vector<128xf32> to vector<1x128xf32>
    %mul3A_41 = vector.broadcast %broadcast_in_dim3A_40 : vector<1x128xf32> to vector<10000x128xf32>
    %mul3A_42 = arith.mulf %mul3A_37, %mul3A_41 : vector<10000x128xf32>
    %get3A_43 = arith.constant 0 : index
    %get3A_44 = vector.load %arg5[%get3A_43] : memref<128xf32, #tpu.memory_space<vmem>>, vector<128xf32>
    %broadcast_in_dim3A_45 = vector.shape_cast %get3A_44 : vector<128xf32> to vector<1x128xf32>
    %add3A_46 = vector.broadcast %broadcast_in_dim3A_45 : vector<1x128xf32> to vector<10000x128xf32>
    %add3A_47 = arith.addf %mul3A_42, %add3A_46 : vector<10000x128xf32>
    %max3A = arith.constant 0.000000e+00 : f32
    %max3A_48 = vector.broadcast %max3A : f32 to vector<10000x128xf32>
    %max3A_49 = arith.maximumf %add3A_47, %max3A_48 : vector<10000x128xf32>
    %get3A_50 = arith.constant 0 : index
    %get3A_51 = arith.constant 0 : index
    %get3A_52 = vector.load %arg6[%get3A_50, %get3A_51] : memref<128x128xf32, #tpu.memory_space<vmem>>, vector<128x128xf32>
    %dot_general3A = arith.constant dense<0.000000e+00> : vector<10000x128xf32>
    %dot_general3A_53 = tpu.matmul %max3A_49, %get3A_52, %dot_general3A {dimension_numbers = #tpu.dot_dimension_numbers<[1], [0], [0], [1], [0, 0, 1, 1], [], []>, transpose_lhs_hint = false} : vector<10000x128xf32>, vector<128x128xf32>, vector<10000x128xf32> -> vector<10000x128xf32>
    %get3A_54 = arith.constant 0 : index
    %get3A_55 = arith.constant 0 : index
    %get3A_56 = vector.load %arg2[%get3A_54, %get3A_55] : memref<10000x1xf32, #tpu.memory_space<vmem>>, vector<10000x1xf32>
    %mul3A_57 = vector.broadcast %get3A_56 : vector<10000x1xf32> to vector<10000x128xf32>
    %mul3A_58 = arith.mulf %dot_general3A_53, %mul3A_57 : vector<10000x128xf32>
    %swap3A = arith.constant 0 : index
    %swap3A_59 = arith.constant 0 : index
    %swap3A_60 = vector.load %arg7[%swap3A, %swap3A_59] : memref<10000x128xf32, #tpu.memory_space<vmem>>, vector<10000x128xf32>
    tpu.vector_store %arg7[%swap3A, %swap3A_59], %mul3A_58 {strides = array<i32>} : memref<10000x128xf32, #tpu.memory_space<vmem>>, vector<10000x128xf32>,
    return
  }
}

module attributes {stable_mosaic.version = 14 : i64} {
  func.func @_stage_final(%arg0: memref<2x10112x128xf32, #tpu.memory_space<vmem>>, %arg1: memref<10000x128xf32, #tpu.memory_space<vmem>>, %arg2: memref<10000x1xf32, #tpu.memory_space<vmem>>, %arg3: memref<40xf32, #tpu.memory_space<vmem>>, %arg4: memref<40xf32, #tpu.memory_space<vmem>>, %arg5: memref<40xf32, #tpu.memory_space<vmem>>, %arg6: memref<40x40xf32, #tpu.memory_space<vmem>>, %arg7: memref<40xf32, #tpu.memory_space<vmem>>, %arg8: memref<10000x40xf32, #tpu.memory_space<vmem>>) attributes {dimension_semantics = [], scalar_prefetch = 0 : i64, scratch_operands = 0 : i64, tpu.core_type = #tpu.core_type<tc>} {
    %get3A = arith.constant 0 : index
    %get3A_0 = arith.constant 0 : index
    %get3A_1 = arith.constant 0 : index
    %get3A_2 = vector.load %arg0[%get3A, %get3A_0, %get3A_1] : memref<2x10112x128xf32, #tpu.memory_space<vmem>>, vector<1x10000x128xf32>
    %get3A_3 = vector.shape_cast %get3A_2 : vector<1x10000x128xf32> to vector<10000x128xf32>
    %get3A_4 = arith.constant 1 : index
    %get3A_5 = arith.constant 0 : index
    %get3A_6 = arith.constant 0 : index
    %get3A_7 = vector.load %arg0[%get3A_4, %get3A_5, %get3A_6] : memref<2x10112x128xf32, #tpu.memory_space<vmem>>, vector<1x10000x128xf32>
    %get3A_8 = vector.shape_cast %get3A_7 : vector<1x10000x128xf32> to vector<10000x128xf32>
    %add3A = arith.addf %get3A_3, %get3A_8 : vector<10000x128xf32>
    %get3A_9 = arith.constant 0 : index
    %get3A_10 = arith.constant 0 : index
    %get3A_11 = vector.load %arg1[%get3A_9, %get3A_10] : memref<10000x128xf32, #tpu.memory_space<vmem>>, vector<10000x128xf32>
    %add3A_12 = arith.addf %add3A, %get3A_11 : vector<10000x128xf32>
    %get3A_13 = arith.constant 0 : index
    %get3A_14 = arith.constant 0 : index
    %get3A_15 = vector.load %arg2[%get3A_13, %get3A_14] : memref<10000x1xf32, #tpu.memory_space<vmem>>, vector<10000x1xf32>
    %mul3A = vector.broadcast %get3A_15 : vector<10000x1xf32> to vector<10000x128xf32>
    %mul3A_16 = arith.mulf %add3A_12, %mul3A : vector<10000x128xf32>
    %slice3A = vector.extract_strided_slice %mul3A_16 {offsets = [0, 0], sizes = [10000, 40], strides = [1, 1]} : vector<10000x128xf32> to vector<10000x40xf32>
    %get3A_17 = arith.constant 0 : index
    %get3A_18 = vector.load %arg3[%get3A_17] : memref<40xf32, #tpu.memory_space<vmem>>, vector<40xf32>
    %broadcast_in_dim3A = vector.shape_cast %get3A_18 : vector<40xf32> to vector<1x40xf32>
    %add3A_19 = vector.broadcast %broadcast_in_dim3A : vector<1x40xf32> to vector<10000x40xf32>
    %add3A_20 = arith.addf %slice3A, %add3A_19 : vector<10000x40xf32>
    %reduce_sum3A = arith.constant dense<0.000000e+00> : vector<40xf32>
    %reduce_sum3A_21 = vector.multi_reduction <add>, %add3A_20, %reduce_sum3A [0] : vector<10000x40xf32> to vector<40xf32>
    %broadcast_in_dim3A_22 = vector.shape_cast %reduce_sum3A_21 : vector<40xf32> to vector<1x40xf32>
    %div3A = arith.constant 1.000000e+04 : f32
    %div3A_23 = vector.broadcast %div3A : f32 to vector<1x40xf32>
    %div3A_24 = arith.divf %broadcast_in_dim3A_22, %div3A_23 : vector<1x40xf32>
    %sub3A = vector.broadcast %div3A_24 : vector<1x40xf32> to vector<10000x40xf32>
    %sub3A_25 = arith.subf %add3A_20, %sub3A : vector<10000x40xf32>
    %mul3A_26 = arith.mulf %sub3A_25, %sub3A_25 : vector<10000x40xf32>
    %reduce_sum3A_27 = arith.constant dense<0.000000e+00> : vector<40xf32>
    %reduce_sum3A_28 = vector.multi_reduction <add>, %mul3A_26, %reduce_sum3A_27 [0] : vector<10000x40xf32> to vector<40xf32>
    %broadcast_in_dim3A_29 = vector.shape_cast %reduce_sum3A_28 : vector<40xf32> to vector<1x40xf32>
    %div3A_30 = arith.constant 1.000000e+04 : f32
    %div3A_31 = vector.broadcast %div3A_30 : f32 to vector<1x40xf32>
    %div3A_32 = arith.divf %broadcast_in_dim3A_29, %div3A_31 : vector<1x40xf32>
    %add3A_33 = arith.constant 9.99999974E-6 : f32
    %add3A_34 = vector.broadcast %add3A_33 : f32 to vector<1x40xf32>
    %add3A_35 = arith.addf %div3A_32, %add3A_34 : vector<1x40xf32>
    %rsqrt3A = math.rsqrt %add3A_35 : vector<1x40xf32>
    %mul3A_36 = vector.broadcast %rsqrt3A : vector<1x40xf32> to vector<10000x40xf32>
    %mul3A_37 = arith.mulf %sub3A_25, %mul3A_36 : vector<10000x40xf32>
    %get3A_38 = arith.constant 0 : index
    %get3A_39 = vector.load %arg4[%get3A_38] : memref<40xf32, #tpu.memory_space<vmem>>, vector<40xf32>
    %broadcast_in_dim3A_40 = vector.shape_cast %get3A_39 : vector<40xf32> to vector<1x40xf32>
    %mul3A_41 = vector.broadcast %broadcast_in_dim3A_40 : vector<1x40xf32> to vector<10000x40xf32>
    %mul3A_42 = arith.mulf %mul3A_37, %mul3A_41 : vector<10000x40xf32>
    %get3A_43 = arith.constant 0 : index
    %get3A_44 = vector.load %arg5[%get3A_43] : memref<40xf32, #tpu.memory_space<vmem>>, vector<40xf32>
    %broadcast_in_dim3A_45 = vector.shape_cast %get3A_44 : vector<40xf32> to vector<1x40xf32>
    %add3A_46 = vector.broadcast %broadcast_in_dim3A_45 : vector<1x40xf32> to vector<10000x40xf32>
    %add3A_47 = arith.addf %mul3A_42, %add3A_46 : vector<10000x40xf32>
    %max3A = arith.constant 0.000000e+00 : f32
    %max3A_48 = vector.broadcast %max3A : f32 to vector<10000x40xf32>
    %max3A_49 = arith.maximumf %add3A_47, %max3A_48 : vector<10000x40xf32>
    %get3A_50 = arith.constant 0 : index
    %get3A_51 = arith.constant 0 : index
    %get3A_52 = vector.load %arg6[%get3A_50, %get3A_51] : memref<40x40xf32, #tpu.memory_space<vmem>>, vector<40x40xf32>
    %dot_general3A = arith.constant dense<0.000000e+00> : vector<10000x40xf32>
    %dot_general3A_53 = tpu.matmul %max3A_49, %get3A_52, %dot_general3A {dimension_numbers = #tpu.dot_dimension_numbers<[1], [0], [0], [1], [0, 0, 1, 1], [], []>, transpose_lhs_hint = false} : vector<10000x40xf32>, vector<40x40xf32>, vector<10000x40xf32> -> vector<10000x40xf32>
    %get3A_54 = arith.constant 0 : index
    %get3A_55 = vector.load %arg7[%get3A_54] : memref<40xf32, #tpu.memory_space<vmem>>, vector<40xf32>
    %broadcast_in_dim3A_56 = vector.shape_cast %get3A_55 : vector<40xf32> to vector<1x40xf32>
    %add3A_57 = vector.broadcast %broadcast_in_dim3A_56 : vector<1x40xf32> to vector<10000x40xf32>
    %add3A_58 = arith.addf %dot_general3A_53, %add3A_57 : vector<10000x40xf32>
    %reduce_max3A = arith.constant dense<0xFF800000> : vector<10000xf32>
    %reduce_max3A_59 = vector.multi_reduction <maximumf>, %add3A_58, %reduce_max3A [1] : vector<10000x40xf32> to vector<10000xf32>
    %broadcast_in_dim3A_60 = vector.shape_cast %reduce_max3A_59 : vector<10000xf32> to vector<10000x1xf32>
    %sub3A_61 = vector.broadcast %broadcast_in_dim3A_60 : vector<10000x1xf32> to vector<10000x40xf32>
    %sub3A_62 = arith.subf %add3A_58, %sub3A_61 : vector<10000x40xf32>
    %exp3A = math.exp %sub3A_62 : vector<10000x40xf32>
    %reduce_sum3A_63 = arith.constant dense<0.000000e+00> : vector<10000xf32>
    %reduce_sum3A_64 = vector.multi_reduction <add>, %exp3A, %reduce_sum3A_63 [1] : vector<10000x40xf32> to vector<10000xf32>
    %broadcast_in_dim3A_65 = vector.shape_cast %reduce_sum3A_64 : vector<10000xf32> to vector<10000x1xf32>
    %log3A = math.log %broadcast_in_dim3A_65 : vector<10000x1xf32>
    %add3A_66 = arith.addf %log3A, %broadcast_in_dim3A_60 : vector<10000x1xf32>
    %sub3A_67 = vector.broadcast %add3A_66 : vector<10000x1xf32> to vector<10000x40xf32>
    %sub3A_68 = arith.subf %add3A_58, %sub3A_67 : vector<10000x40xf32>
    %swap3A = arith.constant 0 : index
    %swap3A_69 = arith.constant 0 : index
    %swap3A_70 = vector.load %arg8[%swap3A, %swap3A_69] : memref<10000x40xf32, #tpu.memory_space<vmem>>, vector<10000x40xf32>
    tpu.vector_store %arg8[%swap3A, %swap3A_69], %sub3A_68 {strides = array<i32>} : memref<10000x40xf32, #tpu.memory_space<vmem>>, vector<10000x40xf32>,
    return
  }
}

</mosaic_0001>

<sc_bundles>
// kernel: kernel.10.cloned.1.call-start
scs
__scs_entry_jumppad:
0x0: {  	(pc) =	sbr.rel $0x88, $3  }
0x1: {  	(tag) =	ssettag $0x0;
	lr =	simm.s32 $0x1  }
0x2: {  	[smem:$0x3F8F] =	sst lr;
	_ =	strace $0xD0000000  }
0x3: {  	_ = 	snop  }
0x4: {  	_ = 	snop  }
0x5: {  	_ = 	snop  }
0x6: {  	_ = 	snop  }
0x7: {  	_ = 	snop  }
__scs_overlays_trampoline_lowered:
0x8: {  	[smem:$0x3F9E] =	sst s0  }
0x9: {  	[smem:$0x3F9F] =	sst s1  }
0xa: {  	[smem:$0x3FA0] =	sst s2  }
0xb: {  	[smem:$0x3FA1] =	sst s3  }
0xc: {  	[smem:$0x3FA2] =	sst s4  }
0xd: {  	[smem:$0x3FA3] =	sst s5  }
0xe: {  	[smem:$0x3FA4] =	sst s6  }
0xf: {  	[smem:$0x3FA5] =	sst s7  }
0x10: {  	[smem:$0x3FA6] =	sst s8  }
0x11: {  	[smem:$0x3FA7] =	sst s9;
	s0 =	simm.s32 @!p0 $0x0  }
0x12: {  	s1 =	sld [smem:$0x3F8D];
	s0 =	simm.s32 @p0 $0x1  }
0x13: {  	[smem:$0x3FA8] =	sst s0;
	s0 =	simm.s32 @!p1 $0x0  }
0x14: {  	s2 =	sld [smem:$0x3F8C];
	s0 =	simm.s32 @p1 $0x1  }
0x15: {  	[smem:$0x3FA9] =	sst s0;
	s0 =	simm.s32 @!p2 $0x0  }
0x16: {  	s3 =	sld [smem:$0x3FDB];
	s0 =	simm.s32 @p2 $0x1  }
0x17: {  	s4 =	simm.s32 $0x1BF5;
	[smem:$0x3FAB] =	sst s0  }
0x18: {  	s0 =	sld [smem:$0x3F8E];
	_ =	swait.ge [sflag:s4], $0x0  }
0x19: {  	s7 =	sld [smem:$0x3F8F]  }
0x1a: {  	s8 =	sadd.s32 $0xFFFFE003, lr  }
0x1b: {  	s9 =	sadd.s32 $0xFFFFFEF7, lr;
	s5 =	simm.s32 $0xFFFFFFFF;
	p2 =	slt.u32 s8, $0xFFFFF086  }
0x1c: {  	p1 =	slt.u32 s9, $0xF7A;
	s5 =	simm.s32 @!p2 $0x0  }
0x1d: {  	s5 =	simm.s32 @p1 $0x1;
	p0 =	seq.s32 s7, s2  }
0x1e: {  	s7 =	smul.u32 @!p0 $0xF7A, s2;
	p2 =	seq.s32 @!p0 s5, $0x0  }
0x1f: {  	s9 =	smul.u32 $0xF7A, s1;
	s8 =	simm.s32 @!p0 $0x1BF5;
	p2 =	por !p2, p0  }
0x20: {  	[sflag:s8] =	ssyncset.s32 @!p0 $0xFFFFF086;
	s6 =	sadd.s32 @!p0 s3, s7;
	s7 =	simm.s32 @!p0 $0x108  }
0x21: {  	s3 =	sadd.s32 s3, s9;
	s6 =	sadd.s32 @!p0 $0x88, s6;
	s7 =	simm.s32 @p2 $0x1082  }
0x22: {  	[simem:s7], [sflag:s8] =	dma.local @!p0 [hbm:s6], $0xF7A  }
0x23: {  	s9 =	sor.u32 $0xD0000000, s2;
	s6 =	simm.s32 $0x108;
	_ =	swait.ge @!p0 [sflag:s8], $0x0  }
0x24: {  	s3 =	sadd.s32 $0x88, s3;
	s6 =	simm.s32 @!p1 $0x1082;
	[sflag:s4] =	ssyncset.s32 $0xFFFFF086  }
0x25: {  	[simem:s6], [sflag:s4] =	dma.local [hbm:s3], $0xF7A  }
0x26: {  	[smem:$0x3F8F] =	sst s1;
	(tag) =	ssettag s2;
	_ =	strace s9  }
0x27: {  	s1 =	sld [smem:$0x3F9F]  }
0x28: {  	s2 =	sld [smem:$0x3FA0]  }
0x29: {  	s4 =	sld [smem:$0x3FA2]  }
0x2a: {  	p0 =	seq.s32 s5, $0x0;
	s5 =	sld [smem:$0x3FA3]  }
0x2b: {  	s6 =	sld [smem:$0x3FA4]  }
0x2c: {  	s7 =	sld [smem:$0x3FA5]  }
0x2d: {  	s3 =	simm.s32 $0x108;
	s8 =	sld [smem:$0x3FA6]  }
0x2e: {  	s3 =	simm.s32 @!p0 $0x1082;
	s9 =	sld [smem:$0x3FA7]  }
0x2f: {  	lr =	sadd.s32 s0, s3;
	s0 =	sld [smem:$0x3F9E]  }
0x30: {  	s3 =	sld [smem:$0x3FA1]  }
0x31: {  	[smem:$0x3FAA] =	sst s10  }
0x32: {  	s10 =	sld [smem:$0x3FA8];
	_ =	sdelay $0x3  }
0x33: {  	p0 =	seq.s32 s10, $0x1;
	s10 =	sld [smem:$0x3FAA];
	_ =	sdelay $0x3  }
0x34: {  	[smem:$0x3FAA] =	sst s10  }
0x35: {  	s10 =	sld [smem:$0x3FA9];
	_ =	sdelay $0x3  }
0x36: {  	p1 =	seq.s32 s10, $0x1;
	s10 =	sld [smem:$0x3FAA];
	_ =	sdelay $0x3  }
0x37: {  	[smem:$0x3FAA] =	sst s10  }
0x38: {  	s10 =	sld [smem:$0x3FAB]  }
0x39: {  	_ = 	snop;
	(pc) =	sbr.ind lr, $3  }
0x3a: {  	_ = 	snop  }
0x3b: {  	_ = 	snop  }
0x3c: {  	p2 =	seq.s32 s10, $0x1;
	s10 =	sld [smem:$0x3FAA]  }
0x3d: {  	_ =	shalt  }
0x3e: {  	_ =	shalt  }
0x3f: {  	_ =	shalt  }
0x40: {  	_ =	shalt  }
0x41: {  	_ =	shalt  }
0x42: {  	_ =	shalt  }
0x43: {  	_ =	shalt  }
0x44: {  	_ =	shalt  }
0x45: {  	_ =	shalt  }
0x46: {  	_ =	shalt  }
0x47: {  	_ =	shalt  }
0x48: {  	_ =	shalt  }
0x49: {  	_ =	shalt  }
0x4a: {  	_ =	shalt  }
0x4b: {  	_ =	shalt  }
0x4c: {  	_ =	shalt  }
0x4d: {  	_ =	shalt  }
0x4e: {  	_ =	shalt  }
0x4f: {  	_ =	shalt  }
0x50: {  	_ =	shalt  }
0x51: {  	_ =	shalt  }
0x52: {  	_ =	shalt  }
0x53: {  	_ =	shalt  }
0x54: {  	_ =	shalt  }
0x55: {  	_ =	shalt  }
0x56: {  	_ =	shalt  }
0x57: {  	_ =	shalt  }
0x58: {  	_ =	shalt  }
0x59: {  	_ =	shalt  }
0x5a: {  	_ =	shalt  }
0x5b: {  	_ =	shalt  }
0x5c: {  	_ =	shalt  }
0x5d: {  	_ =	shalt  }
0x5e: {  	_ =	shalt  }
0x5f: {  	_ =	shalt  }
0x60: {  	_ =	shalt  }
0x61: {  	_ =	shalt  }
0x62: {  	_ =	shalt  }
0x63: {  	_ =	shalt  }
0x64: {  	_ =	shalt  }
0x65: {  	_ =	shalt  }
0x66: {  	_ =	shalt  }
0x67: {  	_ =	shalt  }
0x68: {  	_ =	shalt  }
0x69: {  	_ =	shalt  }
0x6a: {  	_ =	shalt  }
0x6b: {  	_ =	shalt  }
0x6c: {  	_ =	shalt  }
0x6d: {  	_ =	shalt  }
0x6e: {  	_ =	shalt  }
0x6f: {  	_ =	shalt  }
0x70: {  	_ =	shalt  }
0x71: {  	_ =	shalt  }
0x72: {  	_ =	shalt  }
0x73: {  	_ =	shalt  }
0x74: {  	_ =	shalt  }
0x75: {  	_ =	shalt  }
0x76: {  	_ =	shalt  }
0x77: {  	_ =	shalt  }
0x78: {  	_ =	shalt  }
0x79: {  	_ =	shalt  }
0x7a: {  	_ =	shalt  }
0x7b: {  	_ =	shalt  }
0x7c: {  	_ =	shalt  }
0x7d: {  	_ =	shalt  }
0x7e: {  	_ =	shalt  }
0x7f: {  	_ =	shalt  }
0x80: {  	_ =	shalt  }
0x81: {  	_ =	shalt  }
0x82: {  	_ =	shalt  }
0x83: {  	_ =	shalt  }
0x84: {  	_ =	shalt  }
0x85: {  	_ =	shalt  }
0x86: {  	_ =	shalt  }
0x87: {  	_ =	shalt  }
.Lfunc_end0:
.L_simem_size_0:
called_computation_lowered:
.L_overlay_start_0:
0x88: {  	s2 =	sld [smem:$0x3FD9]  }
0x89: {  	s3 =	sld [smem:$0x3FFE];
	_ =	sdelay $0x1  }
0x8a: {  	s1 =	srdreg.scid  }
0x8b: {  	s0 =	sand.u32 $0x1, s1  }
0x8c: {  	s17 =	sshll.u32 s0, $0xA;
	s2 =	sadd.s32 s3, s2  }
0x8d: {  	s2 =	sadd.s32 s2, s17  }
0x8e: {  	[smem:$0x3FB6] =	sst s2  }
0x8f: {  	_ = 	snop  }
0x90: {  	s2 =	sld [smem:$0x3FD0];
	(tm) =	ssettm $0x1  }
0x91: {  	s18 =	sld [smem:$0x3FFB];
	_ =	sdelay $0x3  }
0x92: {  	_ =	strace s18  }
0x93: {  	s3 =	sld [smem:$0x3FFC];
	_ =	sdelay $0x3  }
0x94: {  	_ =	strace s3  }
0x95: {  	s3 =	sld [smem:$0x3FFD];
	_ =	sdelay $0x3  }
0x96: {  	_ =	strace s3  }
0x97: {  	_ =	strace $0x8FFFFFFF  }
0x98: {  	s19 =	sld [smem:$0x3FDB];
	_ =	sdelay $0x1  }
0x99: {  	s4 =	simm.s32 $_scs_section_size  }
0x9a: {  	s5 =	simm.s32 $_size__tile_overlayer_lowered;
	s6 =	simm.s32 $_tile_overlayer_lowered  }
0x9b: {  	s22 =	simm.s32 $0x1BFF;
	s21 =	sshll.u32 s6, $0x1;
	s3 =	sadd.s32 s4, s19  }
0x9c: {  	s7 =	simm.s32 $0x0;
	s20 =	sshll.u32 s5, $0x1;
	s5 =	sadd.s32 s21, s3  }
0x9d: {  	[timem:s7], [sflag:s22] =	dma.local [hbm:s5], s20  }
0x9e: {  	_ =	swait.ge [sflag:s22], s20  }
0x9f: {  	s4 =	ssub.s32 $0x0, s20;
	[sflag:s22] =	ssyncset.done $0x0  }
0xa0: {  	[sflag:s22] =	ssyncadd.s32 s4;
	_ =	sdelay $0x1  }
0xa1: {  	s23 =	simm.s32 $0x1B8B  }
0xa2: {  	_ =	swait.ge [sflag:s23], $0x1  }
0xa3: {  	[sflag:s23] =	ssyncset.done $0x0  }
0xa4: {  	s25 =	simm.s32 $0x1B8E;
	s24 =	sld [smem:$0x3FFE];
	[sflag:s23] =	ssyncadd.s32 $0xFFFFFFFF  }
0xa5: {  	s26 =	simm.s32 $execute0_lowered;
	[smem:$0x3FD2] =	sst s25  }
0xa6: {  	s5 =	sshll.u32 s26, $0x1;
	_ =	strace $0x80000046;
	[dreg:$0x1] =	wrdreg $0xFFFFFFFF  }
0xa7: {  	s28 =	simm.s32 $_size_execute0_lowered;
	s3 =	sadd.s32 s3, s5;
	[dreg:$0x0] =	wrdreg $0x0  }
0xa8: {  	s5 =	sshll.u32 s28, $0x1;
	[dreg:$0x2] =	wrdreg s3  }
0xa9: {  	[dreg:$0x3] =	wrdreg s5  }
0xaa: {  	[dreg:$0x4] =	wrdreg $0xC0  }
0xab: {  	_ =	task [dreg:s7], $0x5FFFF  }
0xac: {  	[dreg:$0x1] =	wrdreg $0xFFFFFFFF  }
0xad: {  	[dreg:$0x0] =	wrdreg $0x60  }
0xae: {  	[dreg:$0x2] =	wrdreg s2  }
0xaf: {  	[dreg:$0x3] =	wrdreg s24  }
0xb0: {  	[dreg:$0x4] =	wrdreg $0x68000  }
0xb1: {  	[dreg:$0x5] =	wrdreg $0x9  }
0xb2: {  	_ =	task.clear_ibuf [dreg:s7], $0x6FFFF;
	_ =	strace $0x90000046  }
0xb3: {  	s29 =	simm.s32 $0x9;
	_ =	strace $0x80000048  }
0xb4: {  	_ =	swait.ge [sflag:s29], $0x1  }
0xb5: {  	[sflag:s29] =	ssyncadd.s32 $0xFFFFFFFF  }
0xb6: {  	_ =	strace $0x90000048  }
0xb7: {  	_ =	sfence  }
0xb8: {  	s30 =	sld [smem:$0x0];
	_ =	sdelay $0x2  }
0xb9: {  	s31 =	sshll.u32 s1, $0xD;
	s1 =	sshrl.u32 s1, $0x2  }
0xba: {  	s3 =	sand.u32 $0x4000, s31;
	s1 =	sadd.s32 s1, s30  }
0xbb: {  	s0 =	sor.u32 s3, s0;
	s1 =	sshll.u32 s1, $0x11  }
0xbc: {  	s0 =	sor.u32 s1, s0  }
0xbd: {  	s0 =	sadd.s32 $0x8F2B, s0  }
0xbe: {  	[sflag:s0] =	ssyncadd.remote.s32 $0x1  }
0xbf: {  	_ =	sfence.sel $0xFFFF  }
0xc0: {  	[dreg:$0x0] =	wrdreg $0xFFFFFFFF;
	(pc) =	sbr.abs _section_cstart, $3  }
0xc1: {  	[dreg:$0x1] =	wrdreg $0xFFFFFFFF  }
0xc2: {  	_ =	task.clear_ibuf [dreg:s7], $0x2FFFF;
	_ =	strace $0x9FFFFFFF  }
0xc3: {  	(tm) =	ssettm $0x7FFFFFFF  }
tec
execute0_lowered:
.L_overlay_start_1:
0x0: {  	(tag) =	ssettag $0x1  }
0x1: {  	s6 =	rddreg [dreg:$0x0]  }
0x2: {  	s7 =	rddreg [dreg:$0x1]  }
0x3: {  	s1 =	rddreg [dreg:$0x2]  }
0x4: {  	s0 =	rddreg [dreg:$0x3];
	s3 =	simm.s32 $0x0;
	s2 =	srdreg.scid  }
0x5: {  	s13 =	simm.s32 $0x80;
	[smem:$0x7FF] =	sst s3;
	s8 =	sand.u32 $0x1, s2  }
0x6: {  	s14 =	simm.s32 $0x0;
	s2 =	stileid.u32;
	s9 =	smul.u32 $0x13C000, s8  }
0x7: {  	s4 =	sadd.s32 $0x4400, s7;
	s5 =	sadd.s32 $0x3C00, s7;
	s10 =	smul.u32 $0x13C00, s2  }
0x8: {  	_ =	strace $0x80000047;
	s11 =	sshll.u32 s8, $0x4;
	s29 =	smul.u32 $0x4F000, s2  }
0x9: {  	s8 =	ssub.s32 $0x2, s8;
	s31 =	sshll.u32 s2, $0x6;
	s28 =	sor.u32 s2, s11  }
0xa: {  	s30 =	sshrl.u32 s8, $0x1;
	s9 =	sadd.s32 s10, s9;
	s10 =	smul.u32 $0x500, s28  }
0xb: {  	s11 =	sshrl.u32 s29, $0x2;
	s8 =	ssub.s32 s8, s30;
	s9 =	sshrl.u32 s9, $0x3  }
0xc: {  	s12 =	sadd.s32 s11, s1;
	s8 =	smax.u32 s8, $0x1;
	s11 =	sor.u32 $0x1C01, s31  }
0xd: {  	s7 =	sadd.s32 s9, s7;
	s6 =	sadd.s32 s6, s10;
	s9 =	simm.s32 $0x2800  }
0xe: {  	s10 =	simm.s32 $0x1;
	s12 =	sshrl.u32 s12, $0x3;
	s7 =	sadd.s32 $0x6C00, s7  }
.LBB2_1:
0xf: {  	[tilespmem:s9], [sflag:$0x1] =	stream.linear.gather [hbm4b:s5+s3], $0x4000, $0x38;
	[tilespmem:$0x1A400] =	vst v63  }
0x10: {  	_ =	swait.ge [sflag:s10], $0x4000  }
0x11: {  	[sflag:s10] =	ssyncset.done $0x0  }
0x12: {  	[sflag:s10] =	ssyncadd.s32 $0xFFFFC000  }
0x13: {  	[tilespmem:s3], [sflag:$0x1] =	stream.linear.gather [hbm4b:s6+s3], $0x2780, $0x38;
	[tilespmem:$0x1A400] =	vst v63  }
0x14: {  	_ =	swait.ge [sflag:s10], $0x2780  }
0x15: {  	[sflag:s10] =	ssyncset.done $0x0  }
0x16: {  	[sflag:s10] =	ssyncadd.s32 $0xFFFFD880  }
0x17: {  	[spmem:s12], [sflag:s11] =	dma.local [hbm:s4], $0x2780  }
0x18: {  	_ =	swait.ge [sflag:s10], $0x2780  }
0x19: {  	[sflag:s10] =	ssyncset.done $0x0  }
0x1a: {  	[sflag:s10] =	ssyncadd.s32 $0xFFFFD880  }
0x1b: {  	s15 =	simm.s32 $0x0;
	[bflag:$0x0] =	sbarrier.arrive $0xFFFF  }
0x1c: {  	[spmem:s1] =	stream.indirect.scatter.add.f32 [tilespmem:s9], [sflag:$0x1], $0x80, s15, s13, $0xb8;
	[tilespmem:$0x1A400] =	vst v63  }
0x1d: {  	_ =	swait.ge [sflag:s10], $0x4000  }
0x1e: {  	s15 =	simm.s32 $0x200;
	[sflag:s10] =	ssyncset.done $0x0  }
.LBB2_2:
0x1f: {  	s16 =	sshra.s32 s15, $0x2;
	[sflag:s10] =	ssyncadd.s32 $0xFFFFC000;
	p0 =	sne.s32 s15, $0x9C00  }
0x20: {  	[spmem:s1] =	stream.indirect.scatter.add.f32 [tilespmem:s9], [sflag:$0x1], $0x80, s16, s13, $0xb8;
	[tilespmem:$0x1A400] =	vst v63  }
.Ltmp0:
0x21: {  	_ = 	snop;
	(pc) =	sbr.rel @p0 .LBB2_2-.Ltmp0, $4  }
0x22: {  	_ = 	snop  }
0x23: {  	s15 =	sadd.s32 $0x200, s15  }
0x24: {  	_ =	swait.ge [sflag:s10], $0x4000  }
0x25: {  	[sflag:s10] =	ssyncset.done $0x0  }
0x26: {  	s14 =	sadd.s32 $0x1, s14  }
0x27: {  	[sflag:s10] =	ssyncadd.s32 $0xFFFFC000;
	p0 =	sne.s32 s14, s8  }
.Ltmp1:
0x28: {  	[bflag:$0x0] =	sbarrier.arrive $0xFFFF;
	(pc) =	sbr.rel @p0 .LBB2_1-.Ltmp1, $4  }
0x29: {  	[hbm:s7], [sflag:s11] =	dma.local [spmem:s12], $0x2780  }
0x2a: {  	_ =	swait.ge [sflag:s10], $0x2780  }
0x2b: {  	[sflag:s10] =	ssyncset.done $0x0  }
0x2c: {  	[sflag:s10] =	ssyncadd.s32 $0xFFFFD880  }
0x2d: {  	_ =	sfence.sel $0x180000  }
0x2e: {  	[bflag:$0x0] =	sbarrier.arrive $0xFFFF  }
0x2f: {  	p0 =	sne.s32 s2, $0x0;
	_ =	strace $0x90000047  }
0x30: {  	s0 =	sadd.s32 @!p0 $0x100000, s0;
	[bflag:$0x2] =	sbarrier.arrive $0xFFFF  }
0x31: {  	[sflag:s0] =	ssyncadd.tile.s32 @!p0 $0x1;
	_ =	shalt  }
.Lfunc_end2:
_tile_overlayer_lowered:
.L_overlay_start_2:
0x32: {  	(tag) =	ssettag $0x2  }
0x33: {  	s0 =	rddreg [dreg:$0x0];
	s2 =	stileid.u32  }
0x34: {  	s1 =	rddreg [dreg:$0x1];
	p0 =	sne.s32 s2, $0x0  }
0x35: {  	s3 =	rddreg [dreg:$0x2];
	[bflag:$0x3] =	sbarrier.arrive $0xFFFF;
	s2 =	simm.s32 @!p0 $0x1C01  }
0x36: {  	[timem:s3], [sflag:s2] =	dma.local @!p0 [hbm:s0], s1  }
0x37: {  	s0 =	simm.s32 @!p0 $0x1  }
0x38: {  	_ =	swait.ge @!p0 [sflag:s0], s1  }
0x39: {  	s1 =	ssub.s32 @!p0 $0x0, s1;
	[sflag:s0] =	ssyncset.done @!p0 $0x0  }
0x3a: {  	[sflag:s0] =	ssyncadd.s32 @!p0 s1  }
0x3b: {  	[bflag:$0x3] =	sbarrier.arrive $0xFFFF  }
0x3c: {  	_ =	shalt  }

// kernel: kernel.13.cloned.1.call-start
scs
__scs_entry_jumppad:
0x0: {  	(pc) =	sbr.rel $0x88, $3  }
0x1: {  	(tag) =	ssettag $0x0;
	lr =	simm.s32 $0x1  }
0x2: {  	[smem:$0x3F8F] =	sst lr;
	_ =	strace $0xD0000000  }
0x3: {  	_ = 	snop  }
0x4: {  	_ = 	snop  }
0x5: {  	_ = 	snop  }
0x6: {  	_ = 	snop  }
0x7: {  	_ = 	snop  }
__scs_overlays_trampoline_lowered:
0x8: {  	[smem:$0x3F9E] =	sst s0  }
0x9: {  	[smem:$0x3F9F] =	sst s1  }
0xa: {  	[smem:$0x3FA0] =	sst s2  }
0xb: {  	[smem:$0x3FA1] =	sst s3  }
0xc: {  	[smem:$0x3FA2] =	sst s4  }
0xd: {  	[smem:$0x3FA3] =	sst s5  }
0xe: {  	[smem:$0x3FA4] =	sst s6  }
0xf: {  	[smem:$0x3FA5] =	sst s7  }
0x10: {  	[smem:$0x3FA6] =	sst s8  }
0x11: {  	[smem:$0x3FA7] =	sst s9;
	s0 =	simm.s32 @!p0 $0x0  }
0x12: {  	s1 =	sld [smem:$0x3F8D];
	s0 =	simm.s32 @p0 $0x1  }
0x13: {  	[smem:$0x3FA8] =	sst s0;
	s0 =	simm.s32 @!p1 $0x0  }
0x14: {  	s2 =	sld [smem:$0x3F8C];
	s0 =	simm.s32 @p1 $0x1  }
0x15: {  	[smem:$0x3FA9] =	sst s0;
	s0 =	simm.s32 @!p2 $0x0  }
0x16: {  	s3 =	sld [smem:$0x3FDB];
	s0 =	simm.s32 @p2 $0x1  }
0x17: {  	s4 =	simm.s32 $0x1BF5;
	[smem:$0x3FAB] =	sst s0  }
0x18: {  	s0 =	sld [smem:$0x3F8E];
	_ =	swait.ge [sflag:s4], $0x0  }
0x19: {  	s7 =	sld [smem:$0x3F8F]  }
0x1a: {  	s8 =	sadd.s32 $0xFFFFE003, lr  }
0x1b: {  	s9 =	sadd.s32 $0xFFFFFEF7, lr;
	s5 =	simm.s32 $0xFFFFFFFF;
	p2 =	slt.u32 s8, $0xFFFFF086  }
0x1c: {  	p1 =	slt.u32 s9, $0xF7A;
	s5 =	simm.s32 @!p2 $0x0  }
0x1d: {  	s5 =	simm.s32 @p1 $0x1;
	p0 =	seq.s32 s7, s2  }
0x1e: {  	s7 =	smul.u32 @!p0 $0xF7A, s2;
	p2 =	seq.s32 @!p0 s5, $0x0  }
0x1f: {  	s9 =	smul.u32 $0xF7A, s1;
	s8 =	simm.s32 @!p0 $0x1BF5;
	p2 =	por !p2, p0  }
0x20: {  	[sflag:s8] =	ssyncset.s32 @!p0 $0xFFFFF086;
	s6 =	sadd.s32 @!p0 s3, s7;
	s7 =	simm.s32 @!p0 $0x108  }
0x21: {  	s3 =	sadd.s32 s3, s9;
	s6 =	sadd.s32 @!p0 $0x88, s6;
	s7 =	simm.s32 @p2 $0x1082  }
0x22: {  	[simem:s7], [sflag:s8] =	dma.local @!p0 [hbm:s6], $0xF7A  }
0x23: {  	s9 =	sor.u32 $0xD0000000, s2;
	s6 =	simm.s32 $0x108;
	_ =	swait.ge @!p0 [sflag:s8], $0x0  }
0x24: {  	s3 =	sadd.s32 $0x88, s3;
	s6 =	simm.s32 @!p1 $0x1082;
	[sflag:s4] =	ssyncset.s32 $0xFFFFF086  }
0x25: {  	[simem:s6], [sflag:s4] =	dma.local [hbm:s3], $0xF7A  }
0x26: {  	[smem:$0x3F8F] =	sst s1;
	(tag) =	ssettag s2;
	_ =	strace s9  }
0x27: {  	s1 =	sld [smem:$0x3F9F]  }
0x28: {  	s2 =	sld [smem:$0x3FA0]  }
0x29: {  	s4 =	sld [smem:$0x3FA2]  }
0x2a: {  	p0 =	seq.s32 s5, $0x0;
	s5 =	sld [smem:$0x3FA3]  }
0x2b: {  	s6 =	sld [smem:$0x3FA4]  }
0x2c: {  	s7 =	sld [smem:$0x3FA5]  }
0x2d: {  	s3 =	simm.s32 $0x108;
	s8 =	sld [smem:$0x3FA6]  }
0x2e: {  	s3 =	simm.s32 @!p0 $0x1082;
	s9 =	sld [smem:$0x3FA7]  }
0x2f: {  	lr =	sadd.s32 s0, s3;
	s0 =	sld [smem:$0x3F9E]  }
0x30: {  	s3 =	sld [smem:$0x3FA1]  }
0x31: {  	[smem:$0x3FAA] =	sst s10  }
0x32: {  	s10 =	sld [smem:$0x3FA8];
	_ =	sdelay $0x3  }
0x33: {  	p0 =	seq.s32 s10, $0x1;
	s10 =	sld [smem:$0x3FAA];
	_ =	sdelay $0x3  }
0x34: {  	[smem:$0x3FAA] =	sst s10  }
0x35: {  	s10 =	sld [smem:$0x3FA9];
	_ =	sdelay $0x3  }
0x36: {  	p1 =	seq.s32 s10, $0x1;
	s10 =	sld [smem:$0x3FAA];
	_ =	sdelay $0x3  }
0x37: {  	[smem:$0x3FAA] =	sst s10  }
0x38: {  	s10 =	sld [smem:$0x3FAB]  }
0x39: {  	_ = 	snop;
	(pc) =	sbr.ind lr, $3  }
0x3a: {  	_ = 	snop  }
0x3b: {  	_ = 	snop  }
0x3c: {  	p2 =	seq.s32 s10, $0x1;
	s10 =	sld [smem:$0x3FAA]  }
0x3d: {  	_ =	shalt  }
0x3e: {  	_ =	shalt  }
0x3f: {  	_ =	shalt  }
0x40: {  	_ =	shalt  }
0x41: {  	_ =	shalt  }
0x42: {  	_ =	shalt  }
0x43: {  	_ =	shalt  }
0x44: {  	_ =	shalt  }
0x45: {  	_ =	shalt  }
0x46: {  	_ =	shalt  }
0x47: {  	_ =	shalt  }
0x48: {  	_ =	shalt  }
0x49: {  	_ =	shalt  }
0x4a: {  	_ =	shalt  }
0x4b: {  	_ =	shalt  }
0x4c: {  	_ =	shalt  }
0x4d: {  	_ =	shalt  }
0x4e: {  	_ =	shalt  }
0x4f: {  	_ =	shalt  }
0x50: {  	_ =	shalt  }
0x51: {  	_ =	shalt  }
0x52: {  	_ =	shalt  }
0x53: {  	_ =	shalt  }
0x54: {  	_ =	shalt  }
0x55: {  	_ =	shalt  }
0x56: {  	_ =	shalt  }
0x57: {  	_ =	shalt  }
0x58: {  	_ =	shalt  }
0x59: {  	_ =	shalt  }
0x5a: {  	_ =	shalt  }
0x5b: {  	_ =	shalt  }
0x5c: {  	_ =	shalt  }
0x5d: {  	_ =	shalt  }
0x5e: {  	_ =	shalt  }
0x5f: {  	_ =	shalt  }
0x60: {  	_ =	shalt  }
0x61: {  	_ =	shalt  }
0x62: {  	_ =	shalt  }
0x63: {  	_ =	shalt  }
0x64: {  	_ =	shalt  }
0x65: {  	_ =	shalt  }
0x66: {  	_ =	shalt  }
0x67: {  	_ =	shalt  }
0x68: {  	_ =	shalt  }
0x69: {  	_ =	shalt  }
0x6a: {  	_ =	shalt  }
0x6b: {  	_ =	shalt  }
0x6c: {  	_ =	shalt  }
0x6d: {  	_ =	shalt  }
0x6e: {  	_ =	shalt  }
0x6f: {  	_ =	shalt  }
0x70: {  	_ =	shalt  }
0x71: {  	_ =	shalt  }
0x72: {  	_ =	shalt  }
0x73: {  	_ =	shalt  }
0x74: {  	_ =	shalt  }
0x75: {  	_ =	shalt  }
0x76: {  	_ =	shalt  }
0x77: {  	_ =	shalt  }
0x78: {  	_ =	shalt  }
0x79: {  	_ =	shalt  }
0x7a: {  	_ =	shalt  }
0x7b: {  	_ =	shalt  }
0x7c: {  	_ =	shalt  }
0x7d: {  	_ =	shalt  }
0x7e: {  	_ =	shalt  }
0x7f: {  	_ =	shalt  }
0x80: {  	_ =	shalt  }
0x81: {  	_ =	shalt  }
0x82: {  	_ =	shalt  }
0x83: {  	_ =	shalt  }
0x84: {  	_ =	shalt  }
0x85: {  	_ =	shalt  }
0x86: {  	_ =	shalt  }
0x87: {  	_ =	shalt  }
.Lfunc_end0:
.L_simem_size_0:
called_computation.1_lowered:
.L_overlay_start_0:
0x88: {  	s2 =	sld [smem:$0x3FD9]  }
0x89: {  	s3 =	sld [smem:$0x3FFE];
	_ =	sdelay $0x1  }
0x8a: {  	s1 =	srdreg.scid  }
0x8b: {  	s0 =	sand.u32 $0x1, s1  }
0x8c: {  	s17 =	sshll.u32 s0, $0xA;
	s2 =	sadd.s32 s3, s2  }
0x8d: {  	s2 =	sadd.s32 s2, s17  }
0x8e: {  	[smem:$0x3FB6] =	sst s2  }
0x8f: {  	_ = 	snop  }
0x90: {  	s2 =	sld [smem:$0x3FD0];
	(tm) =	ssettm $0x1  }
0x91: {  	s18 =	sld [smem:$0x3FFB];
	_ =	sdelay $0x3  }
0x92: {  	_ =	strace s18  }
0x93: {  	s3 =	sld [smem:$0x3FFC];
	_ =	sdelay $0x3  }
0x94: {  	_ =	strace s3  }
0x95: {  	s3 =	sld [smem:$0x3FFD];
	_ =	sdelay $0x3  }
0x96: {  	_ =	strace s3  }
0x97: {  	_ =	strace $0x8FFFFFFF  }
0x98: {  	s19 =	sld [smem:$0x3FDB];
	_ =	sdelay $0x1  }
0x99: {  	s4 =	simm.s32 $_scs_section_size  }
0x9a: {  	s5 =	simm.s32 $_size__tile_overlayer_lowered;
	s6 =	simm.s32 $_tile_overlayer_lowered  }
0x9b: {  	s22 =	simm.s32 $0x1BFF;
	s21 =	sshll.u32 s6, $0x1;
	s3 =	sadd.s32 s4, s19  }
0x9c: {  	s7 =	simm.s32 $0x0;
	s20 =	sshll.u32 s5, $0x1;
	s5 =	sadd.s32 s21, s3  }
0x9d: {  	[timem:s7], [sflag:s22] =	dma.local [hbm:s5], s20  }
0x9e: {  	_ =	swait.ge [sflag:s22], s20  }
0x9f: {  	s4 =	ssub.s32 $0x0, s20;
	[sflag:s22] =	ssyncset.done $0x0  }
0xa0: {  	[sflag:s22] =	ssyncadd.s32 s4;
	_ =	sdelay $0x1  }
0xa1: {  	s23 =	simm.s32 $0x1B8B  }
0xa2: {  	_ =	swait.ge [sflag:s23], $0x1  }
0xa3: {  	[sflag:s23] =	ssyncset.done $0x0  }
0xa4: {  	s25 =	simm.s32 $0x1B8E;
	s24 =	sld [smem:$0x3FFE];
	[sflag:s23] =	ssyncadd.s32 $0xFFFFFFFF  }
0xa5: {  	s26 =	simm.s32 $execute0_lowered;
	[smem:$0x3FD2] =	sst s25  }
0xa6: {  	s5 =	sshll.u32 s26, $0x1;
	_ =	strace $0x80000049;
	[dreg:$0x1] =	wrdreg $0xFFFFFFFF  }
0xa7: {  	s28 =	simm.s32 $_size_execute0_lowered;
	s3 =	sadd.s32 s3, s5;
	[dreg:$0x0] =	wrdreg $0x0  }
0xa8: {  	s5 =	sshll.u32 s28, $0x1;
	[dreg:$0x2] =	wrdreg s3  }
0xa9: {  	[dreg:$0x3] =	wrdreg s5  }
0xaa: {  	[dreg:$0x4] =	wrdreg $0xC0  }
0xab: {  	_ =	task [dreg:s7], $0x5FFFF  }
0xac: {  	[dreg:$0x1] =	wrdreg $0xFFFFFFFF  }
0xad: {  	[dreg:$0x0] =	wrdreg $0x60  }
0xae: {  	[dreg:$0x2] =	wrdreg s24  }
0xaf: {  	[dreg:$0x3] =	wrdreg s2  }
0xb0: {  	[dreg:$0x4] =	wrdreg $0x90000  }
0xb1: {  	[dreg:$0x5] =	wrdreg $0x9  }
0xb2: {  	_ =	task.clear_ibuf [dreg:s7], $0x6FFFF;
	_ =	strace $0x90000049  }
0xb3: {  	s29 =	simm.s32 $0x9;
	_ =	strace $0x8000004B  }
0xb4: {  	_ =	swait.ge [sflag:s29], $0x1  }
0xb5: {  	[sflag:s29] =	ssyncadd.s32 $0xFFFFFFFF  }
0xb6: {  	_ =	strace $0x9000004B  }
0xb7: {  	_ =	sfence  }
0xb8: {  	s30 =	sld [smem:$0x0];
	_ =	sdelay $0x2  }
0xb9: {  	s31 =	sshll.u32 s1, $0xD;
	s1 =	sshrl.u32 s1, $0x2  }
0xba: {  	s3 =	sand.u32 $0x4000, s31;
	s1 =	sadd.s32 s1, s30  }
0xbb: {  	s0 =	sor.u32 s3, s0;
	s1 =	sshll.u32 s1, $0x11  }
0xbc: {  	s0 =	sor.u32 s1, s0  }
0xbd: {  	s0 =	sadd.s32 $0x8F2B, s0  }
0xbe: {  	[sflag:s0] =	ssyncadd.remote.s32 $0x1  }
0xbf: {  	_ =	sfence.sel $0xFFFF  }
0xc0: {  	[dreg:$0x0] =	wrdreg $0xFFFFFFFF;
	(pc) =	sbr.abs _section_cstart, $3  }
0xc1: {  	[dreg:$0x1] =	wrdreg $0xFFFFFFFF  }
0xc2: {  	_ =	task.clear_ibuf [dreg:s7], $0x2FFFF;
	_ =	strace $0x9FFFFFFF  }
0xc3: {  	(tm) =	ssettm $0x7FFFFFFF  }
tec
execute0_lowered:
.L_overlay_start_1:
0x0: {  	(tag) =	ssettag $0x1  }
0x1: {  	s6 =	rddreg [dreg:$0x0]  }
0x2: {  	s7 =	rddreg [dreg:$0x1]  }
0x3: {  	s0 =	srdreg.scid;
	s2 =	rddreg [dreg:$0x2]  }
0x4: {  	s3 =	simm.s32 $0x0;
	s14 =	simm.s32 $0x80;
	s15 =	simm.s32 $0x5000  }
0x5: {  	s16 =	simm.s32 $0x1;
	s5 =	sand.u32 $0x1, s0;
	s0 =	stileid.u32  }
0x6: {  	s17 =	simm.s32 $0x0;
	[smem:$0x7FF] =	sst s3;
	s9 =	smul.u32 $0x13C000, s5  }
0x7: {  	s4 =	sadd.s32 $0x6C00, s6;
	s1 =	sshll.u32 s5, $0x4;
	s10 =	smul.u32 $0x13C00, s0  }
0x8: {  	s29 =	ssub.s32 $0x2, s5;
	s13 =	smul.u32 $0x4F000, s0;
	s5 =	sadd.s32 $0x4400, s6  }
0x9: {  	s31 =	sshll.u32 s0, $0x6;
	s1 =	sor.u32 s0, s1;
	s12 =	sshrl.u32 s29, $0x1  }
0xa: {  	s8 =	smul.u32 $0x500, s1;
	s1 =	rddreg [dreg:$0x3];
	_ =	strace $0x8000004A  }
0xb: {  	s9 =	sadd.s32 s10, s9;
	s10 =	ssub.s32 s29, s12;
	s30 =	sshrl.u32 s13, $0x2  }
0xc: {  	s12 =	sor.u32 $0x1C02, s31;
	s9 =	sshrl.u32 s9, $0x3;
	s13 =	sadd.s32 s30, s2  }
0xd: {  	s11 =	sadd.s32 s8, s6;
	s9 =	sadd.s32 s9, s6;
	s7 =	sadd.s32 s7, s8  }
0xe: {  	s13 =	sshrl.u32 s13, $0x3;
	s6 =	sadd.s32 $0x55C00, s11;
	s8 =	sadd.s32 $0x5FC00, s9  }
0xf: {  	s9 =	smax.u32 s10, $0x1;
	s10 =	simm.s32 $0x2;
	s11 =	simm.s32 $0x2800  }
.LBB2_1:
0x10: {  	[tilespmem:s3], [sflag:$0x2] =	stream.linear.gather [hbm4b:s6+s3], $0x2780, $0x38;
	[tilespmem:$0x1CC00] =	vst v63  }
0x11: {  	_ =	swait.ge [sflag:s10], $0x2780  }
0x12: {  	[sflag:s10] =	ssyncset.done $0x0  }
0x13: {  	[sflag:s10] =	ssyncadd.s32 $0xFFFFD880  }
0x14: {  	[tilespmem:s11], [sflag:$0x2] =	stream.linear.gather [hbm4b:s7+s3], $0x2780, $0x38;
	[tilespmem:$0x1CC00] =	vst v63  }
0x15: {  	_ =	swait.ge [sflag:s10], $0x2780  }
0x16: {  	[sflag:s10] =	ssyncset.done $0x0  }
0x17: {  	[sflag:s10] =	ssyncadd.s32 $0xFFFFD880  }
0x18: {  	[spmem:s13], [sflag:s12] =	dma.local [hbm:s5], $0x2780  }
0x19: {  	_ =	swait.ge [sflag:s10], $0x2780  }
0x1a: {  	[sflag:s10] =	ssyncset.done $0x0  }
0x1b: {  	[sflag:s10] =	ssyncadd.s32 $0xFFFFD880  }
0x1c: {  	s18 =	simm.s32 $0x0;
	[bflag:$0x0] =	sbarrier.arrive $0xFFFF  }
0x1d: {  	[tilespmem:s15], [sflag:$0x1] =	stream.indirect.gather [hbm4b:s4+s14], $0x80, s18, s14, $0xb8;
	[tilespmem:$0x1CC00] =	vst v63  }
0x1e: {  	_ =	swait.ge [sflag:s16], $0x4000  }
0x1f: {  	[sflag:s16] =	ssyncset.done $0x0  }
0x20: {  	s31 =	simm.s32 $0x2800;
	[sflag:s16] =	ssyncadd.s32 $0xFFFFC000  }
0x21: {  	[spmem:s2] =	stream.indirect.scatter.add.f32 [tilespmem:s15], [sflag:$0x2], $0x80, s31, s14, $0xb8;
	[tilespmem:$0x1CC00] =	vst v63  }
0x22: {  	_ =	swait.ge [sflag:s10], $0x4000  }
0x23: {  	s19 =	simm.s32 $0x400;
	s18 =	simm.s32 $0x200;
	[sflag:s10] =	ssyncset.done $0x0  }
.LBB2_2:
0x24: {  	s20 =	sshra.s32 s18, $0x2  }
0x25: {  	[sflag:s10] =	ssyncadd.s32 $0xFFFFC000;
	s18 =	smov.u32 s19;
	s21 =	sadd.s32 $0x200, s19  }
0x26: {  	[tilespmem:s15], [sflag:$0x1] =	stream.indirect.gather [hbm4b:s4+s14], $0x80, s20, s14, $0xb8;
	[tilespmem:$0x1CC00] =	vst v63  }
0x27: {  	p0 =	sne.s32 s19, $0x9C00;
	_ =	swait.ge [sflag:s16], $0x4000  }
.Ltmp0:
0x28: {  	[sflag:s16] =	ssyncset.done $0x0;
	(pc) =	sbr.rel @p0 .LBB2_2-.Ltmp0, $4  }
0x29: {  	s19 =	sadd.s32 $0x2800, s20;
	[sflag:s16] =	ssyncadd.s32 $0xFFFFC000  }
0x2a: {  	[spmem:s2] =	stream.indirect.scatter.add.f32 [tilespmem:s15], [sflag:$0x2], $0x80, s19, s14, $0xb8;
	[tilespmem:$0x1CC00] =	vst v63  }
0x2b: {  	_ =	swait.ge [sflag:s10], $0x4000  }
0x2c: {  	s19 =	smov.u32 s21;
	[sflag:s10] =	ssyncset.done $0x0  }
0x2d: {  	s18 =	sshra.s32 s18, $0x2;
	[sflag:s10] =	ssyncadd.s32 $0xFFFFC000  }
0x2e: {  	[tilespmem:s15], [sflag:$0x1] =	stream.indirect.gather [hbm4b:s4+s14], $0x80, s18, s14, $0xb8;
	[tilespmem:$0x1CC00] =	vst v63  }
0x2f: {  	_ =	swait.ge [sflag:s16], $0x4000  }
0x30: {  	[sflag:s16] =	ssyncset.done $0x0  }
0x31: {  	s18 =	sadd.s32 $0x2800, s18;
	[sflag:s16] =	ssyncadd.s32 $0xFFFFC000  }
0x32: {  	[spmem:s2] =	stream.indirect.scatter.add.f32 [tilespmem:s15], [sflag:$0x2], $0x80, s18, s14, $0xb8;
	[tilespmem:$0x1CC00] =	vst v63  }
0x33: {  	_ =	swait.ge [sflag:s10], $0x4000  }
0x34: {  	s17 =	sadd.s32 $0x1, s17;
	[sflag:s10] =	ssyncset.done $0x0  }
0x35: {  	p0 =	sne.s32 s17, s9;
	[sflag:s10] =	ssyncadd.s32 $0xFFFFC000  }
.Ltmp1:
0x36: {  	[bflag:$0x0] =	sbarrier.arrive $0xFFFF;
	(pc) =	sbr.rel @p0 .LBB2_1-.Ltmp1, $4  }
0x37: {  	[hbm:s8], [sflag:s12] =	dma.local [spmem:s13], $0x2780  }
0x38: {  	_ =	swait.ge [sflag:s10], $0x2780  }
0x39: {  	[sflag:s10] =	ssyncset.done $0x0  }
0x3a: {  	[sflag:s10] =	ssyncadd.s32 $0xFFFFD880  }
0x3b: {  	_ =	sfence.sel $0x180000  }
0x3c: {  	[bflag:$0x0] =	sbarrier.arrive $0xFFFF  }
0x3d: {  	p0 =	sne.s32 s0, $0x0;
	_ =	strace $0x9000004A  }
0x3e: {  	s0 =	sadd.s32 @!p0 $0x100000, s1;
	[bflag:$0x2] =	sbarrier.arrive $0xFFFF  }
0x3f: {  	[sflag:s0] =	ssyncadd.tile.s32 @!p0 $0x1;
	_ =	shalt  }
.Lfunc_end2:
_tile_overlayer_lowered:
.L_overlay_start_2:
0x40: {  	(tag) =	ssettag $0x2  }
0x41: {  	s0 =	rddreg [dreg:$0x0];
	s2 =	stileid.u32  }
0x42: {  	s1 =	rddreg [dreg:$0x1];
	p0 =	sne.s32 s2, $0x0  }
0x43: {  	s3 =	rddreg [dreg:$0x2];
	[bflag:$0x3] =	sbarrier.arrive $0xFFFF;
	s2 =	simm.s32 @!p0 $0x1C02  }
0x44: {  	[timem:s3], [sflag:s2] =	dma.local @!p0 [hbm:s0], s1  }
0x45: {  	s0 =	simm.s32 @!p0 $0x2  }
0x46: {  	_ =	swait.ge @!p0 [sflag:s0], s1  }
0x47: {  	s1 =	ssub.s32 @!p0 $0x0, s1;
	[sflag:s0] =	ssyncset.done @!p0 $0x0  }
0x48: {  	[sflag:s0] =	ssyncadd.s32 @!p0 s1  }
0x49: {  	[bflag:$0x3] =	sbarrier.arrive $0xFFFF  }
0x4a: {  	_ =	shalt  }

// kernel: kernel.16.cloned.1.call-start
scs
__scs_entry_jumppad:
0x0: {  	(pc) =	sbr.rel $0x88, $3  }
0x1: {  	(tag) =	ssettag $0x0;
	lr =	simm.s32 $0x1  }
0x2: {  	[smem:$0x3F8F] =	sst lr;
	_ =	strace $0xD0000000  }
0x3: {  	_ = 	snop  }
0x4: {  	_ = 	snop  }
0x5: {  	_ = 	snop  }
0x6: {  	_ = 	snop  }
0x7: {  	_ = 	snop  }
__scs_overlays_trampoline_lowered:
0x8: {  	[smem:$0x3F9E] =	sst s0  }
0x9: {  	[smem:$0x3F9F] =	sst s1  }
0xa: {  	[smem:$0x3FA0] =	sst s2  }
0xb: {  	[smem:$0x3FA1] =	sst s3  }
0xc: {  	[smem:$0x3FA2] =	sst s4  }
0xd: {  	[smem:$0x3FA3] =	sst s5  }
0xe: {  	[smem:$0x3FA4] =	sst s6  }
0xf: {  	[smem:$0x3FA5] =	sst s7  }
0x10: {  	[smem:$0x3FA6] =	sst s8  }
0x11: {  	[smem:$0x3FA7] =	sst s9;
	s0 =	simm.s32 @!p0 $0x0  }
0x12: {  	s1 =	sld [smem:$0x3F8D];
	s0 =	simm.s32 @p0 $0x1  }
0x13: {  	[smem:$0x3FA8] =	sst s0;
	s0 =	simm.s32 @!p1 $0x0  }
0x14: {  	s2 =	sld [smem:$0x3F8C];
	s0 =	simm.s32 @p1 $0x1  }
0x15: {  	[smem:$0x3FA9] =	sst s0;
	s0 =	simm.s32 @!p2 $0x0  }
0x16: {  	s3 =	sld [smem:$0x3FDB];
	s0 =	simm.s32 @p2 $0x1  }
0x17: {  	s4 =	simm.s32 $0x1BF5;
	[smem:$0x3FAB] =	sst s0  }
0x18: {  	s0 =	sld [smem:$0x3F8E];
	_ =	swait.ge [sflag:s4], $0x0  }
0x19: {  	s7 =	sld [smem:$0x3F8F]  }
0x1a: {  	s8 =	sadd.s32 $0xFFFFE003, lr  }
0x1b: {  	s9 =	sadd.s32 $0xFFFFFEF7, lr;
	s5 =	simm.s32 $0xFFFFFFFF;
	p2 =	slt.u32 s8, $0xFFFFF086  }
0x1c: {  	p1 =	slt.u32 s9, $0xF7A;
	s5 =	simm.s32 @!p2 $0x0  }
0x1d: {  	s5 =	simm.s32 @p1 $0x1;
	p0 =	seq.s32 s7, s2  }
0x1e: {  	s7 =	smul.u32 @!p0 $0xF7A, s2;
	p2 =	seq.s32 @!p0 s5, $0x0  }
0x1f: {  	s9 =	smul.u32 $0xF7A, s1;
	s8 =	simm.s32 @!p0 $0x1BF5;
	p2 =	por !p2, p0  }
0x20: {  	[sflag:s8] =	ssyncset.s32 @!p0 $0xFFFFF086;
	s6 =	sadd.s32 @!p0 s3, s7;
	s7 =	simm.s32 @!p0 $0x108  }
0x21: {  	s3 =	sadd.s32 s3, s9;
	s6 =	sadd.s32 @!p0 $0x88, s6;
	s7 =	simm.s32 @p2 $0x1082  }
0x22: {  	[simem:s7], [sflag:s8] =	dma.local @!p0 [hbm:s6], $0xF7A  }
0x23: {  	s9 =	sor.u32 $0xD0000000, s2;
	s6 =	simm.s32 $0x108;
	_ =	swait.ge @!p0 [sflag:s8], $0x0  }
0x24: {  	s3 =	sadd.s32 $0x88, s3;
	s6 =	simm.s32 @!p1 $0x1082;
	[sflag:s4] =	ssyncset.s32 $0xFFFFF086  }
0x25: {  	[simem:s6], [sflag:s4] =	dma.local [hbm:s3], $0xF7A  }
0x26: {  	[smem:$0x3F8F] =	sst s1;
	(tag) =	ssettag s2;
	_ =	strace s9  }
0x27: {  	s1 =	sld [smem:$0x3F9F]  }
0x28: {  	s2 =	sld [smem:$0x3FA0]  }
0x29: {  	s4 =	sld [smem:$0x3FA2]  }
0x2a: {  	p0 =	seq.s32 s5, $0x0;
	s5 =	sld [smem:$0x3FA3]  }
0x2b: {  	s6 =	sld [smem:$0x3FA4]  }
0x2c: {  	s7 =	sld [smem:$0x3FA5]  }
0x2d: {  	s3 =	simm.s32 $0x108;
	s8 =	sld [smem:$0x3FA6]  }
0x2e: {  	s3 =	simm.s32 @!p0 $0x1082;
	s9 =	sld [smem:$0x3FA7]  }
0x2f: {  	lr =	sadd.s32 s0, s3;
	s0 =	sld [smem:$0x3F9E]  }
0x30: {  	s3 =	sld [smem:$0x3FA1]  }
0x31: {  	[smem:$0x3FAA] =	sst s10  }
0x32: {  	s10 =	sld [smem:$0x3FA8];
	_ =	sdelay $0x3  }
0x33: {  	p0 =	seq.s32 s10, $0x1;
	s10 =	sld [smem:$0x3FAA];
	_ =	sdelay $0x3  }
0x34: {  	[smem:$0x3FAA] =	sst s10  }
0x35: {  	s10 =	sld [smem:$0x3FA9];
	_ =	sdelay $0x3  }
0x36: {  	p1 =	seq.s32 s10, $0x1;
	s10 =	sld [smem:$0x3FAA];
	_ =	sdelay $0x3  }
0x37: {  	[smem:$0x3FAA] =	sst s10  }
0x38: {  	s10 =	sld [smem:$0x3FAB]  }
0x39: {  	_ = 	snop;
	(pc) =	sbr.ind lr, $3  }
0x3a: {  	_ = 	snop  }
0x3b: {  	_ = 	snop  }
0x3c: {  	p2 =	seq.s32 s10, $0x1;
	s10 =	sld [smem:$0x3FAA]  }
0x3d: {  	_ =	shalt  }
0x3e: {  	_ =	shalt  }
0x3f: {  	_ =	shalt  }
0x40: {  	_ =	shalt  }
0x41: {  	_ =	shalt  }
0x42: {  	_ =	shalt  }
0x43: {  	_ =	shalt  }
0x44: {  	_ =	shalt  }
0x45: {  	_ =	shalt  }
0x46: {  	_ =	shalt  }
0x47: {  	_ =	shalt  }
0x48: {  	_ =	shalt  }
0x49: {  	_ =	shalt  }
0x4a: {  	_ =	shalt  }
0x4b: {  	_ =	shalt  }
0x4c: {  	_ =	shalt  }
0x4d: {  	_ =	shalt  }
0x4e: {  	_ =	shalt  }
0x4f: {  	_ =	shalt  }
0x50: {  	_ =	shalt  }
0x51: {  	_ =	shalt  }
0x52: {  	_ =	shalt  }
0x53: {  	_ =	shalt  }
0x54: {  	_ =	shalt  }
0x55: {  	_ =	shalt  }
0x56: {  	_ =	shalt  }
0x57: {  	_ =	shalt  }
0x58: {  	_ =	shalt  }
0x59: {  	_ =	shalt  }
0x5a: {  	_ =	shalt  }
0x5b: {  	_ =	shalt  }
0x5c: {  	_ =	shalt  }
0x5d: {  	_ =	shalt  }
0x5e: {  	_ =	shalt  }
0x5f: {  	_ =	shalt  }
0x60: {  	_ =	shalt  }
0x61: {  	_ =	shalt  }
0x62: {  	_ =	shalt  }
0x63: {  	_ =	shalt  }
0x64: {  	_ =	shalt  }
0x65: {  	_ =	shalt  }
0x66: {  	_ =	shalt  }
0x67: {  	_ =	shalt  }
0x68: {  	_ =	shalt  }
0x69: {  	_ =	shalt  }
0x6a: {  	_ =	shalt  }
0x6b: {  	_ =	shalt  }
0x6c: {  	_ =	shalt  }
0x6d: {  	_ =	shalt  }
0x6e: {  	_ =	shalt  }
0x6f: {  	_ =	shalt  }
0x70: {  	_ =	shalt  }
0x71: {  	_ =	shalt  }
0x72: {  	_ =	shalt  }
0x73: {  	_ =	shalt  }
0x74: {  	_ =	shalt  }
0x75: {  	_ =	shalt  }
0x76: {  	_ =	shalt  }
0x77: {  	_ =	shalt  }
0x78: {  	_ =	shalt  }
0x79: {  	_ =	shalt  }
0x7a: {  	_ =	shalt  }
0x7b: {  	_ =	shalt  }
0x7c: {  	_ =	shalt  }
0x7d: {  	_ =	shalt  }
0x7e: {  	_ =	shalt  }
0x7f: {  	_ =	shalt  }
0x80: {  	_ =	shalt  }
0x81: {  	_ =	shalt  }
0x82: {  	_ =	shalt  }
0x83: {  	_ =	shalt  }
0x84: {  	_ =	shalt  }
0x85: {  	_ =	shalt  }
0x86: {  	_ =	shalt  }
0x87: {  	_ =	shalt  }
.Lfunc_end0:
.L_simem_size_0:
called_computation.2_lowered:
.L_overlay_start_0:
0x88: {  	s2 =	sld [smem:$0x3FD9]  }
0x89: {  	s3 =	sld [smem:$0x3FFE];
	_ =	sdelay $0x1  }
0x8a: {  	s1 =	srdreg.scid  }
0x8b: {  	s0 =	sand.u32 $0x1, s1  }
0x8c: {  	s17 =	sshll.u32 s0, $0xA;
	s2 =	sadd.s32 s3, s2  }
0x8d: {  	s2 =	sadd.s32 s2, s17  }
0x8e: {  	[smem:$0x3FB6] =	sst s2  }
0x8f: {  	_ = 	snop  }
0x90: {  	s2 =	sld [smem:$0x3FD0];
	(tm) =	ssettm $0x1  }
0x91: {  	s18 =	sld [smem:$0x3FFB];
	_ =	sdelay $0x3  }
0x92: {  	_ =	strace s18  }
0x93: {  	s3 =	sld [smem:$0x3FFC];
	_ =	sdelay $0x3  }
0x94: {  	_ =	strace s3  }
0x95: {  	s3 =	sld [smem:$0x3FFD];
	_ =	sdelay $0x3  }
0x96: {  	_ =	strace s3  }
0x97: {  	_ =	strace $0x8FFFFFFF  }
0x98: {  	s19 =	sld [smem:$0x3FDB];
	_ =	sdelay $0x1  }
0x99: {  	s4 =	simm.s32 $_scs_section_size  }
0x9a: {  	s5 =	simm.s32 $_size__tile_overlayer_lowered;
	s6 =	simm.s32 $_tile_overlayer_lowered  }
0x9b: {  	s22 =	simm.s32 $0x1BFF;
	s21 =	sshll.u32 s6, $0x1;
	s3 =	sadd.s32 s4, s19  }
0x9c: {  	s7 =	simm.s32 $0x0;
	s20 =	sshll.u32 s5, $0x1;
	s5 =	sadd.s32 s21, s3  }
0x9d: {  	[timem:s7], [sflag:s22] =	dma.local [hbm:s5], s20  }
0x9e: {  	_ =	swait.ge [sflag:s22], s20  }
0x9f: {  	s4 =	ssub.s32 $0x0, s20;
	[sflag:s22] =	ssyncset.done $0x0  }
0xa0: {  	[sflag:s22] =	ssyncadd.s32 s4;
	_ =	sdelay $0x1  }
0xa1: {  	s23 =	simm.s32 $0x1B8B  }
0xa2: {  	_ =	swait.ge [sflag:s23], $0x1  }
0xa3: {  	[sflag:s23] =	ssyncset.done $0x0  }
0xa4: {  	s25 =	simm.s32 $0x1B8E;
	s24 =	sld [smem:$0x3FFE];
	[sflag:s23] =	ssyncadd.s32 $0xFFFFFFFF  }
0xa5: {  	s26 =	simm.s32 $execute0_lowered;
	[smem:$0x3FD2] =	sst s25  }
0xa6: {  	s5 =	sshll.u32 s26, $0x1;
	_ =	strace $0x8000004C;
	[dreg:$0x1] =	wrdreg $0xFFFFFFFF  }
0xa7: {  	s28 =	simm.s32 $_size_execute0_lowered;
	s3 =	sadd.s32 s3, s5;
	[dreg:$0x0] =	wrdreg $0x0  }
0xa8: {  	s5 =	sshll.u32 s28, $0x1;
	[dreg:$0x2] =	wrdreg s3  }
0xa9: {  	[dreg:$0x3] =	wrdreg s5  }
0xaa: {  	[dreg:$0x4] =	wrdreg $0xC0  }
0xab: {  	_ =	task [dreg:s7], $0x5FFFF  }
0xac: {  	[dreg:$0x1] =	wrdreg $0xFFFFFFFF  }
0xad: {  	[dreg:$0x0] =	wrdreg $0x60  }
0xae: {  	[dreg:$0x2] =	wrdreg s24  }
0xaf: {  	[dreg:$0x3] =	wrdreg s2  }
0xb0: {  	[dreg:$0x4] =	wrdreg $0x90000  }
0xb1: {  	[dreg:$0x5] =	wrdreg $0x9  }
0xb2: {  	_ =	task.clear_ibuf [dreg:s7], $0x6FFFF;
	_ =	strace $0x9000004C  }
0xb3: {  	s29 =	simm.s32 $0x9;
	_ =	strace $0x8000004E  }
0xb4: {  	_ =	swait.ge [sflag:s29], $0x1  }
0xb5: {  	[sflag:s29] =	ssyncadd.s32 $0xFFFFFFFF  }
0xb6: {  	_ =	strace $0x9000004E  }
0xb7: {  	_ =	sfence  }
0xb8: {  	s30 =	sld [smem:$0x0];
	_ =	sdelay $0x2  }
0xb9: {  	s31 =	sshll.u32 s1, $0xD;
	s1 =	sshrl.u32 s1, $0x2  }
0xba: {  	s3 =	sand.u32 $0x4000, s31;
	s1 =	sadd.s32 s1, s30  }
0xbb: {  	s0 =	sor.u32 s3, s0;
	s1 =	sshll.u32 s1, $0x11  }
0xbc: {  	s0 =	sor.u32 s1, s0  }
0xbd: {  	s0 =	sadd.s32 $0x8F2B, s0  }
0xbe: {  	[sflag:s0] =	ssyncadd.remote.s32 $0x1  }
0xbf: {  	_ =	sfence.sel $0xFFFF  }
0xc0: {  	[dreg:$0x0] =	wrdreg $0xFFFFFFFF;
	(pc) =	sbr.abs _section_cstart, $3  }
0xc1: {  	[dreg:$0x1] =	wrdreg $0xFFFFFFFF  }
0xc2: {  	_ =	task.clear_ibuf [dreg:s7], $0x2FFFF;
	_ =	strace $0x9FFFFFFF  }
0xc3: {  	(tm) =	ssettm $0x7FFFFFFF  }
tec
execute0_lowered:
.L_overlay_start_1:
0x0: {  	(tag) =	ssettag $0x1  }
0x1: {  	s6 =	rddreg [dreg:$0x0]  }
0x2: {  	s7 =	rddreg [dreg:$0x1]  }
0x3: {  	s0 =	srdreg.scid;
	s2 =	rddreg [dreg:$0x2]  }
0x4: {  	s3 =	simm.s32 $0x0;
	s14 =	simm.s32 $0x80;
	s15 =	simm.s32 $0x5000  }
0x5: {  	s16 =	simm.s32 $0x1;
	s5 =	sand.u32 $0x1, s0;
	s0 =	stileid.u32  }
0x6: {  	s17 =	simm.s32 $0x0;
	[smem:$0x7FF] =	sst s3;
	s9 =	smul.u32 $0x13C000, s5  }
0x7: {  	s4 =	sadd.s32 $0x6C00, s6;
	s1 =	sshll.u32 s5, $0x4;
	s10 =	smul.u32 $0x13C00, s0  }
0x8: {  	s29 =	ssub.s32 $0x2, s5;
	s13 =	smul.u32 $0x4F000, s0;
	s5 =	sadd.s32 $0x4400, s6  }
0x9: {  	s31 =	sshll.u32 s0, $0x6;
	s1 =	sor.u32 s0, s1;
	s12 =	sshrl.u32 s29, $0x1  }
0xa: {  	s8 =	smul.u32 $0x500, s1;
	s1 =	rddreg [dreg:$0x3];
	_ =	strace $0x8000004D  }
0xb: {  	s9 =	sadd.s32 s10, s9;
	s10 =	ssub.s32 s29, s12;
	s30 =	sshrl.u32 s13, $0x2  }
0xc: {  	s12 =	sor.u32 $0x1C02, s31;
	s9 =	sshrl.u32 s9, $0x3;
	s13 =	sadd.s32 s30, s2  }
0xd: {  	s11 =	sadd.s32 s8, s6;
	s9 =	sadd.s32 s9, s6;
	s7 =	sadd.s32 s7, s8  }
0xe: {  	s13 =	sshrl.u32 s13, $0x3;
	s6 =	sadd.s32 $0x55C00, s11;
	s8 =	sadd.s32 $0x5FC00, s9  }
0xf: {  	s9 =	smax.u32 s10, $0x1;
	s10 =	simm.s32 $0x2;
	s11 =	simm.s32 $0x2800  }
.LBB2_1:
0x10: {  	[tilespmem:s3], [sflag:$0x2] =	stream.linear.gather [hbm4b:s6+s3], $0x2780, $0x38;
	[tilespmem:$0x1CC00] =	vst v63  }
0x11: {  	_ =	swait.ge [sflag:s10], $0x2780  }
0x12: {  	[sflag:s10] =	ssyncset.done $0x0  }
0x13: {  	[sflag:s10] =	ssyncadd.s32 $0xFFFFD880  }
0x14: {  	[tilespmem:s11], [sflag:$0x2] =	stream.linear.gather [hbm4b:s7+s3], $0x2780, $0x38;
	[tilespmem:$0x1CC00] =	vst v63  }
0x15: {  	_ =	swait.ge [sflag:s10], $0x2780  }
0x16: {  	[sflag:s10] =	ssyncset.done $0x0  }
0x17: {  	[sflag:s10] =	ssyncadd.s32 $0xFFFFD880  }
0x18: {  	[spmem:s13], [sflag:s12] =	dma.local [hbm:s5], $0x2780  }
0x19: {  	_ =	swait.ge [sflag:s10], $0x2780  }
0x1a: {  	[sflag:s10] =	ssyncset.done $0x0  }
0x1b: {  	[sflag:s10] =	ssyncadd.s32 $0xFFFFD880  }
0x1c: {  	s18 =	simm.s32 $0x0;
	[bflag:$0x0] =	sbarrier.arrive $0xFFFF  }
0x1d: {  	[tilespmem:s15], [sflag:$0x1] =	stream.indirect.gather [hbm4b:s4+s14], $0x80, s18, s14, $0xb8;
	[tilespmem:$0x1CC00] =	vst v63  }
0x1e: {  	_ =	swait.ge [sflag:s16], $0x4000  }
0x1f: {  	[sflag:s16] =	ssyncset.done $0x0  }
0x20: {  	s31 =	simm.s32 $0x2800;
	[sflag:s16] =	ssyncadd.s32 $0xFFFFC000  }
0x21: {  	[spmem:s2] =	stream.indirect.scatter.add.f32 [tilespmem:s15], [sflag:$0x2], $0x80, s31, s14, $0xb8;
	[tilespmem:$0x1CC00] =	vst v63  }
0x22: {  	_ =	swait.ge [sflag:s10], $0x4000  }
0x23: {  	s19 =	simm.s32 $0x400;
	s18 =	simm.s32 $0x200;
	[sflag:s10] =	ssyncset.done $0x0  }
.LBB2_2:
0x24: {  	s20 =	sshra.s32 s18, $0x2  }
0x25: {  	[sflag:s10] =	ssyncadd.s32 $0xFFFFC000;
	s18 =	smov.u32 s19;
	s21 =	sadd.s32 $0x200, s19  }
0x26: {  	[tilespmem:s15], [sflag:$0x1] =	stream.indirect.gather [hbm4b:s4+s14], $0x80, s20, s14, $0xb8;
	[tilespmem:$0x1CC00] =	vst v63  }
0x27: {  	p0 =	sne.s32 s19, $0x9C00;
	_ =	swait.ge [sflag:s16], $0x4000  }
.Ltmp0:
0x28: {  	[sflag:s16] =	ssyncset.done $0x0;
	(pc) =	sbr.rel @p0 .LBB2_2-.Ltmp0, $4  }
0x29: {  	s19 =	sadd.s32 $0x2800, s20;
	[sflag:s16] =	ssyncadd.s32 $0xFFFFC000  }
0x2a: {  	[spmem:s2] =	stream.indirect.scatter.add.f32 [tilespmem:s15], [sflag:$0x2], $0x80, s19, s14, $0xb8;
	[tilespmem:$0x1CC00] =	vst v63  }
0x2b: {  	_ =	swait.ge [sflag:s10], $0x4000  }
0x2c: {  	s19 =	smov.u32 s21;
	[sflag:s10] =	ssyncset.done $0x0  }
0x2d: {  	s18 =	sshra.s32 s18, $0x2;
	[sflag:s10] =	ssyncadd.s32 $0xFFFFC000  }
0x2e: {  	[tilespmem:s15], [sflag:$0x1] =	stream.indirect.gather [hbm4b:s4+s14], $0x80, s18, s14, $0xb8;
	[tilespmem:$0x1CC00] =	vst v63  }
0x2f: {  	_ =	swait.ge [sflag:s16], $0x4000  }
0x30: {  	[sflag:s16] =	ssyncset.done $0x0  }
0x31: {  	s18 =	sadd.s32 $0x2800, s18;
	[sflag:s16] =	ssyncadd.s32 $0xFFFFC000  }
0x32: {  	[spmem:s2] =	stream.indirect.scatter.add.f32 [tilespmem:s15], [sflag:$0x2], $0x80, s18, s14, $0xb8;
	[tilespmem:$0x1CC00] =	vst v63  }
0x33: {  	_ =	swait.ge [sflag:s10], $0x4000  }
0x34: {  	s17 =	sadd.s32 $0x1, s17;
	[sflag:s10] =	ssyncset.done $0x0  }
0x35: {  	p0 =	sne.s32 s17, s9;
	[sflag:s10] =	ssyncadd.s32 $0xFFFFC000  }
.Ltmp1:
0x36: {  	[bflag:$0x0] =	sbarrier.arrive $0xFFFF;
	(pc) =	sbr.rel @p0 .LBB2_1-.Ltmp1, $4  }
0x37: {  	[hbm:s8], [sflag:s12] =	dma.local [spmem:s13], $0x2780  }
0x38: {  	_ =	swait.ge [sflag:s10], $0x2780  }
0x39: {  	[sflag:s10] =	ssyncset.done $0x0  }
0x3a: {  	[sflag:s10] =	ssyncadd.s32 $0xFFFFD880  }
0x3b: {  	_ =	sfence.sel $0x180000  }
0x3c: {  	[bflag:$0x0] =	sbarrier.arrive $0xFFFF  }
0x3d: {  	p0 =	sne.s32 s0, $0x0;
	_ =	strace $0x9000004D  }
0x3e: {  	s0 =	sadd.s32 @!p0 $0x100000, s1;
	[bflag:$0x2] =	sbarrier.arrive $0xFFFF  }
0x3f: {  	[sflag:s0] =	ssyncadd.tile.s32 @!p0 $0x1;
	_ =	shalt  }
.Lfunc_end2:
_tile_overlayer_lowered:
.L_overlay_start_2:
0x40: {  	(tag) =	ssettag $0x2  }
0x41: {  	s0 =	rddreg [dreg:$0x0];
	s2 =	stileid.u32  }
0x42: {  	s1 =	rddreg [dreg:$0x1];
	p0 =	sne.s32 s2, $0x0  }
0x43: {  	s3 =	rddreg [dreg:$0x2];
	[bflag:$0x3] =	sbarrier.arrive $0xFFFF;
	s2 =	simm.s32 @!p0 $0x1C02  }
0x44: {  	[timem:s3], [sflag:s2] =	dma.local @!p0 [hbm:s0], s1  }
0x45: {  	s0 =	simm.s32 @!p0 $0x2  }
0x46: {  	_ =	swait.ge @!p0 [sflag:s0], s1  }
0x47: {  	s1 =	ssub.s32 @!p0 $0x0, s1;
	[sflag:s0] =	ssyncset.done @!p0 $0x0  }
0x48: {  	[sflag:s0] =	ssyncadd.s32 @!p0 s1  }
0x49: {  	[bflag:$0x3] =	sbarrier.arrive $0xFFFF  }
0x4a: {  	_ =	shalt  }

// kernel: kernel.19.cloned.1.call-start
scs
__scs_entry_jumppad:
0x0: {  	(pc) =	sbr.rel $0x88, $3  }
0x1: {  	(tag) =	ssettag $0x0;
	lr =	simm.s32 $0x1  }
0x2: {  	[smem:$0x3F8F] =	sst lr;
	_ =	strace $0xD0000000  }
0x3: {  	_ = 	snop  }
0x4: {  	_ = 	snop  }
0x5: {  	_ = 	snop  }
0x6: {  	_ = 	snop  }
0x7: {  	_ = 	snop  }
__scs_overlays_trampoline_lowered:
0x8: {  	[smem:$0x3F9E] =	sst s0  }
0x9: {  	[smem:$0x3F9F] =	sst s1  }
0xa: {  	[smem:$0x3FA0] =	sst s2  }
0xb: {  	[smem:$0x3FA1] =	sst s3  }
0xc: {  	[smem:$0x3FA2] =	sst s4  }
0xd: {  	[smem:$0x3FA3] =	sst s5  }
0xe: {  	[smem:$0x3FA4] =	sst s6  }
0xf: {  	[smem:$0x3FA5] =	sst s7  }
0x10: {  	[smem:$0x3FA6] =	sst s8  }
0x11: {  	[smem:$0x3FA7] =	sst s9;
	s0 =	simm.s32 @!p0 $0x0  }
0x12: {  	s1 =	sld [smem:$0x3F8D];
	s0 =	simm.s32 @p0 $0x1  }
0x13: {  	[smem:$0x3FA8] =	sst s0;
	s0 =	simm.s32 @!p1 $0x0  }
0x14: {  	s2 =	sld [smem:$0x3F8C];
	s0 =	simm.s32 @p1 $0x1  }
0x15: {  	[smem:$0x3FA9] =	sst s0;
	s0 =	simm.s32 @!p2 $0x0  }
0x16: {  	s3 =	sld [smem:$0x3FDB];
	s0 =	simm.s32 @p2 $0x1  }
0x17: {  	s4 =	simm.s32 $0x1BF5;
	[smem:$0x3FAB] =	sst s0  }
0x18: {  	s0 =	sld [smem:$0x3F8E];
	_ =	swait.ge [sflag:s4], $0x0  }
0x19: {  	s7 =	sld [smem:$0x3F8F]  }
0x1a: {  	s8 =	sadd.s32 $0xFFFFE003, lr  }
0x1b: {  	s9 =	sadd.s32 $0xFFFFFEF7, lr;
	s5 =	simm.s32 $0xFFFFFFFF;
	p2 =	slt.u32 s8, $0xFFFFF086  }
0x1c: {  	p1 =	slt.u32 s9, $0xF7A;
	s5 =	simm.s32 @!p2 $0x0  }
0x1d: {  	s5 =	simm.s32 @p1 $0x1;
	p0 =	seq.s32 s7, s2  }
0x1e: {  	s7 =	smul.u32 @!p0 $0xF7A, s2;
	p2 =	seq.s32 @!p0 s5, $0x0  }
0x1f: {  	s9 =	smul.u32 $0xF7A, s1;
	s8 =	simm.s32 @!p0 $0x1BF5;
	p2 =	por !p2, p0  }
0x20: {  	[sflag:s8] =	ssyncset.s32 @!p0 $0xFFFFF086;
	s6 =	sadd.s32 @!p0 s3, s7;
	s7 =	simm.s32 @!p0 $0x108  }
0x21: {  	s3 =	sadd.s32 s3, s9;
	s6 =	sadd.s32 @!p0 $0x88, s6;
	s7 =	simm.s32 @p2 $0x1082  }
0x22: {  	[simem:s7], [sflag:s8] =	dma.local @!p0 [hbm:s6], $0xF7A  }
0x23: {  	s9 =	sor.u32 $0xD0000000, s2;
	s6 =	simm.s32 $0x108;
	_ =	swait.ge @!p0 [sflag:s8], $0x0  }
0x24: {  	s3 =	sadd.s32 $0x88, s3;
	s6 =	simm.s32 @!p1 $0x1082;
	[sflag:s4] =	ssyncset.s32 $0xFFFFF086  }
0x25: {  	[simem:s6], [sflag:s4] =	dma.local [hbm:s3], $0xF7A  }
0x26: {  	[smem:$0x3F8F] =	sst s1;
	(tag) =	ssettag s2;
	_ =	strace s9  }
0x27: {  	s1 =	sld [smem:$0x3F9F]  }
0x28: {  	s2 =	sld [smem:$0x3FA0]  }
0x29: {  	s4 =	sld [smem:$0x3FA2]  }
0x2a: {  	p0 =	seq.s32 s5, $0x0;
	s5 =	sld [smem:$0x3FA3]  }
0x2b: {  	s6 =	sld [smem:$0x3FA4]  }
0x2c: {  	s7 =	sld [smem:$0x3FA5]  }
0x2d: {  	s3 =	simm.s32 $0x108;
	s8 =	sld [smem:$0x3FA6]  }
0x2e: {  	s3 =	simm.s32 @!p0 $0x1082;
	s9 =	sld [smem:$0x3FA7]  }
0x2f: {  	lr =	sadd.s32 s0, s3;
	s0 =	sld [smem:$0x3F9E]  }
0x30: {  	s3 =	sld [smem:$0x3FA1]  }
0x31: {  	[smem:$0x3FAA] =	sst s10  }
0x32: {  	s10 =	sld [smem:$0x3FA8];
	_ =	sdelay $0x3  }
0x33: {  	p0 =	seq.s32 s10, $0x1;
	s10 =	sld [smem:$0x3FAA];
	_ =	sdelay $0x3  }
0x34: {  	[smem:$0x3FAA] =	sst s10  }
0x35: {  	s10 =	sld [smem:$0x3FA9];
	_ =	sdelay $0x3  }
0x36: {  	p1 =	seq.s32 s10, $0x1;
	s10 =	sld [smem:$0x3FAA];
	_ =	sdelay $0x3  }
0x37: {  	[smem:$0x3FAA] =	sst s10  }
0x38: {  	s10 =	sld [smem:$0x3FAB]  }
0x39: {  	_ = 	snop;
	(pc) =	sbr.ind lr, $3  }
0x3a: {  	_ = 	snop  }
0x3b: {  	_ = 	snop  }
0x3c: {  	p2 =	seq.s32 s10, $0x1;
	s10 =	sld [smem:$0x3FAA]  }
0x3d: {  	_ =	shalt  }
0x3e: {  	_ =	shalt  }
0x3f: {  	_ =	shalt  }
0x40: {  	_ =	shalt  }
0x41: {  	_ =	shalt  }
0x42: {  	_ =	shalt  }
0x43: {  	_ =	shalt  }
0x44: {  	_ =	shalt  }
0x45: {  	_ =	shalt  }
0x46: {  	_ =	shalt  }
0x47: {  	_ =	shalt  }
0x48: {  	_ =	shalt  }
0x49: {  	_ =	shalt  }
0x4a: {  	_ =	shalt  }
0x4b: {  	_ =	shalt  }
0x4c: {  	_ =	shalt  }
0x4d: {  	_ =	shalt  }
0x4e: {  	_ =	shalt  }
0x4f: {  	_ =	shalt  }
0x50: {  	_ =	shalt  }
0x51: {  	_ =	shalt  }
0x52: {  	_ =	shalt  }
0x53: {  	_ =	shalt  }
0x54: {  	_ =	shalt  }
0x55: {  	_ =	shalt  }
0x56: {  	_ =	shalt  }
0x57: {  	_ =	shalt  }
0x58: {  	_ =	shalt  }
0x59: {  	_ =	shalt  }
0x5a: {  	_ =	shalt  }
0x5b: {  	_ =	shalt  }
0x5c: {  	_ =	shalt  }
0x5d: {  	_ =	shalt  }
0x5e: {  	_ =	shalt  }
0x5f: {  	_ =	shalt  }
0x60: {  	_ =	shalt  }
0x61: {  	_ =	shalt  }
0x62: {  	_ =	shalt  }
0x63: {  	_ =	shalt  }
0x64: {  	_ =	shalt  }
0x65: {  	_ =	shalt  }
0x66: {  	_ =	shalt  }
0x67: {  	_ =	shalt  }
0x68: {  	_ =	shalt  }
0x69: {  	_ =	shalt  }
0x6a: {  	_ =	shalt  }
0x6b: {  	_ =	shalt  }
0x6c: {  	_ =	shalt  }
0x6d: {  	_ =	shalt  }
0x6e: {  	_ =	shalt  }
0x6f: {  	_ =	shalt  }
0x70: {  	_ =	shalt  }
0x71: {  	_ =	shalt  }
0x72: {  	_ =	shalt  }
0x73: {  	_ =	shalt  }
0x74: {  	_ =	shalt  }
0x75: {  	_ =	shalt  }
0x76: {  	_ =	shalt  }
0x77: {  	_ =	shalt  }
0x78: {  	_ =	shalt  }
0x79: {  	_ =	shalt  }
0x7a: {  	_ =	shalt  }
0x7b: {  	_ =	shalt  }
0x7c: {  	_ =	shalt  }
0x7d: {  	_ =	shalt  }
0x7e: {  	_ =	shalt  }
0x7f: {  	_ =	shalt  }
0x80: {  	_ =	shalt  }
0x81: {  	_ =	shalt  }
0x82: {  	_ =	shalt  }
0x83: {  	_ =	shalt  }
0x84: {  	_ =	shalt  }
0x85: {  	_ =	shalt  }
0x86: {  	_ =	shalt  }
0x87: {  	_ =	shalt  }
.Lfunc_end0:
.L_simem_size_0:
called_computation.3_lowered:
.L_overlay_start_0:
0x88: {  	s2 =	sld [smem:$0x3FD9]  }
0x89: {  	s3 =	sld [smem:$0x3FFE];
	_ =	sdelay $0x1  }
0x8a: {  	s1 =	srdreg.scid  }
0x8b: {  	s0 =	sand.u32 $0x1, s1  }
0x8c: {  	s17 =	sshll.u32 s0, $0xA;
	s2 =	sadd.s32 s3, s2  }
0x8d: {  	s2 =	sadd.s32 s2, s17  }
0x8e: {  	[smem:$0x3FB6] =	sst s2  }
0x8f: {  	_ = 	snop  }
0x90: {  	s2 =	sld [smem:$0x3FD0];
	(tm) =	ssettm $0x1  }
0x91: {  	s18 =	sld [smem:$0x3FFB];
	_ =	sdelay $0x3  }
0x92: {  	_ =	strace s18  }
0x93: {  	s3 =	sld [smem:$0x3FFC];
	_ =	sdelay $0x3  }
0x94: {  	_ =	strace s3  }
0x95: {  	s3 =	sld [smem:$0x3FFD];
	_ =	sdelay $0x3  }
0x96: {  	_ =	strace s3  }
0x97: {  	_ =	strace $0x8FFFFFFF  }
0x98: {  	s19 =	sld [smem:$0x3FDB];
	_ =	sdelay $0x1  }
0x99: {  	s4 =	simm.s32 $_scs_section_size  }
0x9a: {  	s5 =	simm.s32 $_size__tile_overlayer_lowered;
	s6 =	simm.s32 $_tile_overlayer_lowered  }
0x9b: {  	s22 =	simm.s32 $0x1BFF;
	s21 =	sshll.u32 s6, $0x1;
	s3 =	sadd.s32 s4, s19  }
0x9c: {  	s7 =	simm.s32 $0x0;
	s20 =	sshll.u32 s5, $0x1;
	s5 =	sadd.s32 s21, s3  }
0x9d: {  	[timem:s7], [sflag:s22] =	dma.local [hbm:s5], s20  }
0x9e: {  	_ =	swait.ge [sflag:s22], s20  }
0x9f: {  	s4 =	ssub.s32 $0x0, s20;
	[sflag:s22] =	ssyncset.done $0x0  }
0xa0: {  	[sflag:s22] =	ssyncadd.s32 s4;
	_ =	sdelay $0x1  }
0xa1: {  	s23 =	simm.s32 $0x1B8B  }
0xa2: {  	_ =	swait.ge [sflag:s23], $0x1  }
0xa3: {  	[sflag:s23] =	ssyncset.done $0x0  }
0xa4: {  	s25 =	simm.s32 $0x1B8E;
	s24 =	sld [smem:$0x3FFE];
	[sflag:s23] =	ssyncadd.s32 $0xFFFFFFFF  }
0xa5: {  	s26 =	simm.s32 $execute0_lowered;
	[smem:$0x3FD2] =	sst s25  }
0xa6: {  	s5 =	sshll.u32 s26, $0x1;
	_ =	strace $0x8000004F;
	[dreg:$0x1] =	wrdreg $0xFFFFFFFF  }
0xa7: {  	s28 =	simm.s32 $_size_execute0_lowered;
	s3 =	sadd.s32 s3, s5;
	[dreg:$0x0] =	wrdreg $0x0  }
0xa8: {  	s5 =	sshll.u32 s28, $0x1;
	[dreg:$0x2] =	wrdreg s3  }
0xa9: {  	[dreg:$0x3] =	wrdreg s5  }
0xaa: {  	[dreg:$0x4] =	wrdreg $0xC0  }
0xab: {  	_ =	task [dreg:s7], $0x5FFFF  }
0xac: {  	[dreg:$0x1] =	wrdreg $0xFFFFFFFF  }
0xad: {  	[dreg:$0x0] =	wrdreg $0x60  }
0xae: {  	[dreg:$0x2] =	wrdreg s24  }
0xaf: {  	[dreg:$0x3] =	wrdreg s2  }
0xb0: {  	[dreg:$0x4] =	wrdreg $0x90000  }
0xb1: {  	[dreg:$0x5] =	wrdreg $0x9  }
0xb2: {  	_ =	task.clear_ibuf [dreg:s7], $0x6FFFF;
	_ =	strace $0x9000004F  }
0xb3: {  	s29 =	simm.s32 $0x9;
	_ =	strace $0x80000051  }
0xb4: {  	_ =	swait.ge [sflag:s29], $0x1  }
0xb5: {  	[sflag:s29] =	ssyncadd.s32 $0xFFFFFFFF  }
0xb6: {  	_ =	strace $0x90000051  }
0xb7: {  	_ =	sfence  }
0xb8: {  	s30 =	sld [smem:$0x0];
	_ =	sdelay $0x2  }
0xb9: {  	s31 =	sshll.u32 s1, $0xD;
	s1 =	sshrl.u32 s1, $0x2  }
0xba: {  	s3 =	sand.u32 $0x4000, s31;
	s1 =	sadd.s32 s1, s30  }
0xbb: {  	s0 =	sor.u32 s3, s0;
	s1 =	sshll.u32 s1, $0x11  }
0xbc: {  	s0 =	sor.u32 s1, s0  }
0xbd: {  	s0 =	sadd.s32 $0x8F2B, s0  }
0xbe: {  	[sflag:s0] =	ssyncadd.remote.s32 $0x1  }
0xbf: {  	_ =	sfence.sel $0xFFFF  }
0xc0: {  	[dreg:$0x0] =	wrdreg $0xFFFFFFFF;
	(pc) =	sbr.abs _section_cstart, $3  }
0xc1: {  	[dreg:$0x1] =	wrdreg $0xFFFFFFFF  }
0xc2: {  	_ =	task.clear_ibuf [dreg:s7], $0x2FFFF;
	_ =	strace $0x9FFFFFFF  }
0xc3: {  	(tm) =	ssettm $0x7FFFFFFF  }
tec
execute0_lowered:
.L_overlay_start_1:
0x0: {  	(tag) =	ssettag $0x1  }
0x1: {  	s6 =	rddreg [dreg:$0x0]  }
0x2: {  	s7 =	rddreg [dreg:$0x1]  }
0x3: {  	s0 =	srdreg.scid;
	s2 =	rddreg [dreg:$0x2]  }
0x4: {  	s3 =	simm.s32 $0x0;
	s14 =	simm.s32 $0x80;
	s15 =	simm.s32 $0x5000  }
0x5: {  	s16 =	simm.s32 $0x1;
	s5 =	sand.u32 $0x1, s0;
	s0 =	stileid.u32  }
0x6: {  	s17 =	simm.s32 $0x0;
	[smem:$0x7FF] =	sst s3;
	s9 =	smul.u32 $0x13C000, s5  }
0x7: {  	s4 =	sadd.s32 $0x6C00, s6;
	s1 =	sshll.u32 s5, $0x4;
	s10 =	smul.u32 $0x13C00, s0  }
0x8: {  	s29 =	ssub.s32 $0x2, s5;
	s13 =	smul.u32 $0x4F000, s0;
	s5 =	sadd.s32 $0x4400, s6  }
0x9: {  	s31 =	sshll.u32 s0, $0x6;
	s1 =	sor.u32 s0, s1;
	s12 =	sshrl.u32 s29, $0x1  }
0xa: {  	s8 =	smul.u32 $0x500, s1;
	s1 =	rddreg [dreg:$0x3];
	_ =	strace $0x80000050  }
0xb: {  	s9 =	sadd.s32 s10, s9;
	s10 =	ssub.s32 s29, s12;
	s30 =	sshrl.u32 s13, $0x2  }
0xc: {  	s12 =	sor.u32 $0x1C02, s31;
	s9 =	sshrl.u32 s9, $0x3;
	s13 =	sadd.s32 s30, s2  }
0xd: {  	s11 =	sadd.s32 s8, s6;
	s9 =	sadd.s32 s9, s6;
	s7 =	sadd.s32 s7, s8  }
0xe: {  	s13 =	sshrl.u32 s13, $0x3;
	s6 =	sadd.s32 $0x55C00, s11;
	s8 =	sadd.s32 $0x5FC00, s9  }
0xf: {  	s9 =	smax.u32 s10, $0x1;
	s10 =	simm.s32 $0x2;
	s11 =	simm.s32 $0x2800  }
.LBB2_1:
0x10: {  	[tilespmem:s3], [sflag:$0x2] =	stream.linear.gather [hbm4b:s6+s3], $0x2780, $0x38;
	[tilespmem:$0x1CC00] =	vst v63  }
0x11: {  	_ =	swait.ge [sflag:s10], $0x2780  }
0x12: {  	[sflag:s10] =	ssyncset.done $0x0  }
0x13: {  	[sflag:s10] =	ssyncadd.s32 $0xFFFFD880  }
0x14: {  	[tilespmem:s11], [sflag:$0x2] =	stream.linear.gather [hbm4b:s7+s3], $0x2780, $0x38;
	[tilespmem:$0x1CC00] =	vst v63  }
0x15: {  	_ =	swait.ge [sflag:s10], $0x2780  }
0x16: {  	[sflag:s10] =	ssyncset.done $0x0  }
0x17: {  	[sflag:s10] =	ssyncadd.s32 $0xFFFFD880  }
0x18: {  	[spmem:s13], [sflag:s12] =	dma.local [hbm:s5], $0x2780  }
0x19: {  	_ =	swait.ge [sflag:s10], $0x2780  }
0x1a: {  	[sflag:s10] =	ssyncset.done $0x0  }
0x1b: {  	[sflag:s10] =	ssyncadd.s32 $0xFFFFD880  }
0x1c: {  	s18 =	simm.s32 $0x0;
	[bflag:$0x0] =	sbarrier.arrive $0xFFFF  }
0x1d: {  	[tilespmem:s15], [sflag:$0x1] =	stream.indirect.gather [hbm4b:s4+s14], $0x80, s18, s14, $0xb8;
	[tilespmem:$0x1CC00] =	vst v63  }
0x1e: {  	_ =	swait.ge [sflag:s16], $0x4000  }
0x1f: {  	[sflag:s16] =	ssyncset.done $0x0  }
0x20: {  	s31 =	simm.s32 $0x2800;
	[sflag:s16] =	ssyncadd.s32 $0xFFFFC000  }
0x21: {  	[spmem:s2] =	stream.indirect.scatter.add.f32 [tilespmem:s15], [sflag:$0x2], $0x80, s31, s14, $0xb8;
	[tilespmem:$0x1CC00] =	vst v63  }
0x22: {  	_ =	swait.ge [sflag:s10], $0x4000  }
0x23: {  	s19 =	simm.s32 $0x400;
	s18 =	simm.s32 $0x200;
	[sflag:s10] =	ssyncset.done $0x0  }
.LBB2_2:
0x24: {  	s20 =	sshra.s32 s18, $0x2  }
0x25: {  	[sflag:s10] =	ssyncadd.s32 $0xFFFFC000;
	s18 =	smov.u32 s19;
	s21 =	sadd.s32 $0x200, s19  }
0x26: {  	[tilespmem:s15], [sflag:$0x1] =	stream.indirect.gather [hbm4b:s4+s14], $0x80, s20, s14, $0xb8;
	[tilespmem:$0x1CC00] =	vst v63  }
0x27: {  	p0 =	sne.s32 s19, $0x9C00;
	_ =	swait.ge [sflag:s16], $0x4000  }
.Ltmp0:
0x28: {  	[sflag:s16] =	ssyncset.done $0x0;
	(pc) =	sbr.rel @p0 .LBB2_2-.Ltmp0, $4  }
0x29: {  	s19 =	sadd.s32 $0x2800, s20;
	[sflag:s16] =	ssyncadd.s32 $0xFFFFC000  }
0x2a: {  	[spmem:s2] =	stream.indirect.scatter.add.f32 [tilespmem:s15], [sflag:$0x2], $0x80, s19, s14, $0xb8;
	[tilespmem:$0x1CC00] =	vst v63  }
0x2b: {  	_ =	swait.ge [sflag:s10], $0x4000  }
0x2c: {  	s19 =	smov.u32 s21;
	[sflag:s10] =	ssyncset.done $0x0  }
0x2d: {  	s18 =	sshra.s32 s18, $0x2;
	[sflag:s10] =	ssyncadd.s32 $0xFFFFC000  }
0x2e: {  	[tilespmem:s15], [sflag:$0x1] =	stream.indirect.gather [hbm4b:s4+s14], $0x80, s18, s14, $0xb8;
	[tilespmem:$0x1CC00] =	vst v63  }
0x2f: {  	_ =	swait.ge [sflag:s16], $0x4000  }
0x30: {  	[sflag:s16] =	ssyncset.done $0x0  }
0x31: {  	s18 =	sadd.s32 $0x2800, s18;
	[sflag:s16] =	ssyncadd.s32 $0xFFFFC000  }
0x32: {  	[spmem:s2] =	stream.indirect.scatter.add.f32 [tilespmem:s15], [sflag:$0x2], $0x80, s18, s14, $0xb8;
	[tilespmem:$0x1CC00] =	vst v63  }
0x33: {  	_ =	swait.ge [sflag:s10], $0x4000  }
0x34: {  	s17 =	sadd.s32 $0x1, s17;
	[sflag:s10] =	ssyncset.done $0x0  }
0x35: {  	p0 =	sne.s32 s17, s9;
	[sflag:s10] =	ssyncadd.s32 $0xFFFFC000  }
.Ltmp1:
0x36: {  	[bflag:$0x0] =	sbarrier.arrive $0xFFFF;
	(pc) =	sbr.rel @p0 .LBB2_1-.Ltmp1, $4  }
0x37: {  	[hbm:s8], [sflag:s12] =	dma.local [spmem:s13], $0x2780  }
0x38: {  	_ =	swait.ge [sflag:s10], $0x2780  }
0x39: {  	[sflag:s10] =	ssyncset.done $0x0  }
0x3a: {  	[sflag:s10] =	ssyncadd.s32 $0xFFFFD880  }
0x3b: {  	_ =	sfence.sel $0x180000  }
0x3c: {  	[bflag:$0x0] =	sbarrier.arrive $0xFFFF  }
0x3d: {  	p0 =	sne.s32 s0, $0x0;
	_ =	strace $0x90000050  }
0x3e: {  	s0 =	sadd.s32 @!p0 $0x100000, s1;
	[bflag:$0x2] =	sbarrier.arrive $0xFFFF  }
0x3f: {  	[sflag:s0] =	ssyncadd.tile.s32 @!p0 $0x1;
	_ =	shalt  }
.Lfunc_end2:
_tile_overlayer_lowered:
.L_overlay_start_2:
0x40: {  	(tag) =	ssettag $0x2  }
0x41: {  	s0 =	rddreg [dreg:$0x0];
	s2 =	stileid.u32  }
0x42: {  	s1 =	rddreg [dreg:$0x1];
	p0 =	sne.s32 s2, $0x0  }
0x43: {  	s3 =	rddreg [dreg:$0x2];
	[bflag:$0x3] =	sbarrier.arrive $0xFFFF;
	s2 =	simm.s32 @!p0 $0x1C02  }
0x44: {  	[timem:s3], [sflag:s2] =	dma.local @!p0 [hbm:s0], s1  }
0x45: {  	s0 =	simm.s32 @!p0 $0x2  }
0x46: {  	_ =	swait.ge @!p0 [sflag:s0], s1  }
0x47: {  	s1 =	ssub.s32 @!p0 $0x0, s1;
	[sflag:s0] =	ssyncset.done @!p0 $0x0  }
0x48: {  	[sflag:s0] =	ssyncadd.s32 @!p0 s1  }
0x49: {  	[bflag:$0x3] =	sbarrier.arrive $0xFFFF  }
0x4a: {  	_ =	shalt  }

</sc_bundles>
